<compile_context>
chip_gen: v7x
topology: tpu7x:2x2x1
jax: 0.10.2.dev20260603
libtpu: 0.0.44.dev20260713+nightly
codegen_flags: <defaults>
</compile_context>

<pallas_src>
import functools

import jax
import jax.numpy as jnp
from jax import lax
from jax.experimental import pallas as pl
from jax.experimental.pallas import tpu as pltpu
from jax.experimental.pallas import tpu_sc as plsc

_N = 10000
_K = 32
_D = 128

_NW = 32
_NSC = 7680
_NTC = _N - _NSC
_NPW = _NSC // _NW
_CB = 4
_IDXC = _CB * _K
_CPW = _NPW // _CB
_LANES = 16
_NV = _D // _LANES


def _sc_neighbor_sum(x, edge_groups):
    mesh = plsc.VectorSubcoreMesh(core_axis_name="c", subcore_axis_name="s")

    @functools.partial(
        pl.kernel,
        out_type=jax.ShapeDtypeStruct((_NSC, _D), jnp.float32),
        mesh=mesh,
        scratch_types=[
            pltpu.VMEM((_CPW, _IDXC), jnp.int32),
            pltpu.VMEM((_IDXC, _D), jnp.float32),
            pltpu.VMEM((_IDXC, _D), jnp.float32),
            pltpu.VMEM((_NPW, _D), jnp.float32),
            pltpu.SemaphoreType.DMA,
            pltpu.SemaphoreType.DMA,
        ],
    )
    def body(x_hbm, edge_hbm, out_hbm, idx_v, rows0, rows1, out_v, sem0, sem1):
        wid = lax.axis_index("s") * 2 + lax.axis_index("c")

        pltpu.sync_copy(edge_hbm.at[wid], idx_v)

        def start(g, rows_ref, sem):
            pltpu.async_copy(x_hbm.at[idx_v.at[g]], rows_ref, sem)

        def wait(rows_ref, sem):
            pltpu.make_async_copy(x_hbm.at[pl.ds(0, _IDXC)], rows_ref, sem).wait()

        def compute(g, rows_ref):
            base_slot = g * _CB
            for b in range(_CB):
                def kstep(k, accs, _b=b):
                    r = _b * _K + 2 * k
                    accs = tuple(
                        accs[c] + rows_ref[r, pl.ds(c * _LANES, _LANES)]
                        for c in range(_NV)
                    )
                    return tuple(
                        accs[c] + rows_ref[r + 1, pl.ds(c * _LANES, _LANES)]
                        for c in range(_NV)
                    )

                zeros = tuple(jnp.zeros((_LANES,), jnp.float32) for _ in range(_NV))
                accs = lax.fori_loop(0, _K // 2, kstep, zeros)
                for c in range(_NV):
                    out_v[base_slot + b, pl.ds(c * _LANES, _LANES)] = accs[c]

        start(0, rows0, sem0)
        start(1, rows1, sem1)

        def pair_body(p, carry):
            g = 2 * p
            wait(rows0, sem0)
            compute(g, rows0)

            @pl.when(p + 1 < _CPW // 2)
            def _():
                start(g + 2, rows0, sem0)

            wait(rows1, sem1)
            compute(g + 1, rows1)

            @pl.when(p + 1 < _CPW // 2)
            def _():
                start(g + 3, rows1, sem1)

            return carry

        lax.fori_loop(0, _CPW // 2, pair_body, 0)

        pltpu.sync_copy(out_v, out_hbm.at[pl.ds(wid * _NPW, _NPW)])

    return body(x, edge_groups)


def _tc_lin_body(x_ref, ns_ref, eps_ref, wt_ref, b_ref, o_ref):
    h = (1.0 + eps_ref[0, 0]) * x_ref[...] + ns_ref[...]
    o_ref[...] = (
        jnp.dot(h, wt_ref[...], preferred_element_type=jnp.float32) + b_ref[...]
    )


def _tc_linear(xs, nsum, eps11, wt, b1):
    n, br = _NSC, 640
    return pl.pallas_call(
        _tc_lin_body,
        grid=(n // br,),
        in_specs=[
            pl.BlockSpec((br, _D), lambda i: (i, 0)),
            pl.BlockSpec((br, _D), lambda i: (i, 0)),
            pl.BlockSpec(memory_space=pltpu.SMEM),
            pl.BlockSpec((_D, _D), lambda i: (0, 0)),
            pl.BlockSpec((1, _D), lambda i: (0, 0)),
        ],
        out_specs=pl.BlockSpec((br, _D), lambda i: (i, 0)),
        out_shape=jax.ShapeDtypeStruct((n, _D), jnp.float32),
    )(xs, nsum, eps11, wt, b1)


_BRT = 80


def _tc_gather_body(x_all_ref, xb_ref, e_ref, eps_ref, wt_ref, b_ref,
                    o_ref, ns_ref):
    def node_body(i, carry):
        acc0 = x_all_ref[pl.ds(e_ref[i, 0], 1), :]
        acc1 = x_all_ref[pl.ds(e_ref[i, 1], 1), :]
        acc2 = x_all_ref[pl.ds(e_ref[i, 2], 1), :]
        acc3 = x_all_ref[pl.ds(e_ref[i, 3], 1), :]
        for k in range(4, _K, 4):
            acc0 = acc0 + x_all_ref[pl.ds(e_ref[i, k], 1), :]
            acc1 = acc1 + x_all_ref[pl.ds(e_ref[i, k + 1], 1), :]
            acc2 = acc2 + x_all_ref[pl.ds(e_ref[i, k + 2], 1), :]
            acc3 = acc3 + x_all_ref[pl.ds(e_ref[i, k + 3], 1), :]
        ns_ref[pl.ds(i, 1), :] = (acc0 + acc1) + (acc2 + acc3)
        return carry

    lax.fori_loop(0, _BRT, node_body, 0)
    h = (1.0 + eps_ref[0, 0]) * xb_ref[...] + ns_ref[...]
    o_ref[...] = (
        jnp.dot(h, wt_ref[...], preferred_element_type=jnp.float32) + b_ref[...]
    )


def _tc_gather_linear(x, xt, edge_t, eps11, wt, b1):
    return pl.pallas_call(
        _tc_gather_body,
        grid=(_NTC // _BRT,),
        in_specs=[
            pl.BlockSpec((_N, _D), lambda i: (0, 0)),
            pl.BlockSpec((_BRT, _D), lambda i: (i, 0)),
            pl.BlockSpec((_BRT, _K), lambda i: (i, 0), memory_space=pltpu.SMEM),
            pl.BlockSpec(memory_space=pltpu.SMEM),
            pl.BlockSpec((_D, _D), lambda i: (0, 0)),
            pl.BlockSpec((1, _D), lambda i: (0, 0)),
        ],
        out_specs=pl.BlockSpec((_BRT, _D), lambda i: (i, 0)),
        out_shape=jax.ShapeDtypeStruct((_NTC, _D), jnp.float32),
        scratch_shapes=[pltpu.VMEM((_BRT, _D), jnp.float32)],
    )(x, xt, edge_t, eps11, wt, b1)


def kernel(x, edge_index, eps, W, b):
    edge_groups = edge_index[:_NSC].reshape(_NW, _CPW, _IDXC)
    nsum_sc = _sc_neighbor_sum(x, edge_groups)
    eps11 = eps.reshape(1, 1)
    wt = W.T
    b1 = b.reshape(1, _D)
    out_tc = _tc_gather_linear(x, x[_NSC:], edge_index[_NSC:], eps11, wt, b1)
    out_sc = _tc_linear(x[:_NSC], nsum_sc, eps11, wt, b1)
    return jnp.concatenate([out_sc, out_tc], axis=0)

# --- scband reference (transcript-rebuilt; emitter-appended) ---
"""Pipeline reference for scband-ginconv-687194767736 (READ-ONLY COPY).

The authoritative reference and input builder live on the scoring server;
editing this copy changes nothing except your own understanding.
"""

import jax, jax.numpy as jnp
import numpy as np

N = 10000
K = 32
D_IN = 128
D_OUT = 128


def setup_inputs(seed: int = 0) -> dict:
    key = jax.random.key(seed)
    k1, k2, k3, k4 = jax.random.split(key, 4)
    x = jax.random.normal(k1, (N, D_IN), dtype=jnp.float32)
    # NOTE: this module uses a dense neighbor-list edge_index of shape [N, K];
    # values index into rows of x (row N would be the zero-padding row, but
    # randint in [0, N) keeps all indices valid real nodes).
    edge_index = jax.random.randint(k2, (N, K), 0, N, dtype=jnp.int32)
    eps = jnp.zeros((1,), dtype=jnp.float32)
    W = jax.random.normal(k3, (D_OUT, D_IN), dtype=jnp.float32) * (1.0 / np.sqrt(D_IN))
    b = jax.random.normal(k4, (D_OUT,), dtype=jnp.float32) * 0.01
    return {"x": x, "edge_index": edge_index, "eps": eps, "W": W, "b": b}


def reference(x, edge_index, eps, W, b):
    # node_feature_padded = cat(x, zeros(1, d))
    padded = jnp.concatenate([x, jnp.zeros((1, x.shape[1]), dtype=x.dtype)], axis=0)
    # gather neighbor features: [N, K, D]
    neigh = jnp.take(padded, edge_index, axis=0)
    # (1 + eps) * x + sum over neighbors
    h = (1.0 + eps) * x + neigh.sum(axis=1)
    # mlp = single Linear(in, out)
    return h @ W.T + b

if __name__ == "__main__":
    import jax
    _d = setup_inputs()
    print(jax.jit(kernel)(*tuple(_d.values())))

</pallas_src>

<mosaic_0001>
#map = affine_map<(d0, d1) -> (0, 0)>
#map1 = affine_map<(d0, d1) -> (0, 0, 0)>
module attributes {stable_mosaic.version = 14 : i64} {
  func.func @body(%arg0: i32, %arg1: i32, %arg2: memref<10000x128xf32, #tpu.memory_space<hbm>>, %arg3: memref<32x60x128xi32, #tpu.memory_space<hbm>>, %arg4: memref<7680x128xf32, #tpu.memory_space<hbm>>, %arg5: memref<60x128xi32, #tpu.memory_space<vmem>>, %arg6: memref<128x128xf32, #tpu.memory_space<vmem>>, %arg7: memref<128x128xf32, #tpu.memory_space<vmem>>, %arg8: memref<240x128xf32, #tpu.memory_space<vmem>>, %arg9: memref<!tpu.dma_semaphore, #tpu.memory_space<semaphore_mem>>, %arg10: memref<!tpu.dma_semaphore, #tpu.memory_space<semaphore_mem>>) attributes {dimension_semantics = [#tpu.dimension_semantics<core_parallel>, #tpu.dimension_semantics<subcore_parallel>], iteration_bounds = array<i64: 2, 16>, scalar_prefetch = 0 : i64, scratch_operands = 6 : i64, tpu.core_type = #tpu.core_type<sc_vector_subcore>, window_params = [{transform_indices = #map}, {transform_indices = #map1}, {transform_indices = #map}]} {
    %mul3A = arith.constant 2 : i32
    %mul3A_0 = arith.muli %arg1, %mul3A : i32
    %add3A = arith.addi %mul3A_0, %arg0 : i32
    "tpu.region"() ({
      %run_scoped3A = tpu.sem_alloc : memref<!tpu.dma_semaphore, #tpu.memory_space<semaphore_mem>>
      %dma_start3A_21 = arith.constant 0 : i32
      %dma_start3A_22 = arith.constant 0 : i32
      %dma_start3A_23 = tpu.memref_slice %arg3[%add3A, %dma_start3A_21, %dma_start3A_22] : memref<32x60x128xi32, #tpu.memory_space<hbm>> -> memref<1x60x128xi32, #tpu.memory_space<hbm>>
      %dma_start3A_24 = tpu.memref_squeeze %dma_start3A_23 : memref<1x60x128xi32, #tpu.memory_space<hbm>> -> memref<60x128xi32, #tpu.memory_space<hbm>>
      %dma_start3A_25 = arith.constant 0 : i32
      %dma_start3A_26 = arith.constant 0 : i32
      %dma_start3A_27 = tpu.memref_slice %arg3[%add3A, %dma_start3A_25, %dma_start3A_26] : memref<32x60x128xi32, #tpu.memory_space<hbm>> -> memref<1x60x128xi32, #tpu.memory_space<hbm>>
      %dma_start3A_28 = tpu.memref_squeeze %dma_start3A_27 : memref<1x60x128xi32, #tpu.memory_space<hbm>> -> memref<60x128xi32, #tpu.memory_space<hbm>>
      tpu.enqueue_dma source(%dma_start3A_28 : memref<60x128xi32, #tpu.memory_space<hbm>>) target(%arg5 : memref<60x128xi32, #tpu.memory_space<vmem>>) target_semaphore(%run_scoped3A : memref<!tpu.dma_semaphore, #tpu.memory_space<semaphore_mem>>)
      %dma_wait3A = arith.constant 0 : i32
      %dma_wait3A_29 = arith.constant 0 : i32
      %dma_wait3A_30 = tpu.memref_slice %arg3[%add3A, %dma_wait3A, %dma_wait3A_29] : memref<32x60x128xi32, #tpu.memory_space<hbm>> -> memref<1x60x128xi32, #tpu.memory_space<hbm>>
      %dma_wait3A_31 = tpu.memref_squeeze %dma_wait3A_30 : memref<1x60x128xi32, #tpu.memory_space<hbm>> -> memref<60x128xi32, #tpu.memory_space<hbm>>
      %dma_wait3A_32 = arith.constant 0 : i32
      %dma_wait3A_33 = arith.constant 0 : i32
      %dma_wait3A_34 = tpu.memref_slice %arg3[%add3A, %dma_wait3A_32, %dma_wait3A_33] : memref<32x60x128xi32, #tpu.memory_space<hbm>> -> memref<1x60x128xi32, #tpu.memory_space<hbm>>
      %dma_wait3A_35 = tpu.memref_squeeze %dma_wait3A_34 : memref<1x60x128xi32, #tpu.memory_space<hbm>> -> memref<60x128xi32, #tpu.memory_space<hbm>>
      tpu.wait_dma2 semaphore(%run_scoped3A : memref<!tpu.dma_semaphore, #tpu.memory_space<semaphore_mem>>) src(%dma_wait3A_35 : memref<60x128xi32, #tpu.memory_space<hbm>>) dst(%arg5 : memref<60x128xi32, #tpu.memory_space<vmem>>)
      tpu.yield
    }) : () -> ()
    %dma_start3A = arith.constant 0 : i32
    %dma_start3A_1 = arith.constant 0 : i32
    %dma_start3A_2 = tpu.memref_slice %arg5[%dma_start3A, %dma_start3A_1] : memref<60x128xi32, #tpu.memory_space<vmem>> -> memref<1x128xi32, #tpu.memory_space<vmem>>
    %dma_start3A_3 = tpu.memref_squeeze %dma_start3A_2 : memref<1x128xi32, #tpu.memory_space<vmem>> -> memref<128xi32, #tpu.memory_space<vmem>>
    %dma_start3A_4 = arith.constant 0 : i32
    %dma_start3A_5 = arith.constant 0 : i32
    %dma_start3A_6 = tpu.memref_slice %arg2[%dma_start3A_4, %dma_start3A_5] : memref<10000x128xf32, #tpu.memory_space<hbm>> -> memref<10000x128xf32, #tpu.memory_space<hbm>>
    tpu.enqueue_indirect_dma source(%dma_start3A_6 : memref<10000x128xf32, #tpu.memory_space<hbm>>) target(%arg6 : memref<128x128xf32, #tpu.memory_space<vmem>>) offsets(%dma_start3A_3 : memref<128xi32, #tpu.memory_space<vmem>>) semaphore(%arg9 : memref<!tpu.dma_semaphore, #tpu.memory_space<semaphore_mem>>)
    %dma_start3A_7 = arith.constant 1 : i32
    %dma_start3A_8 = arith.constant 0 : i32
    %dma_start3A_9 = tpu.memref_slice %arg5[%dma_start3A_7, %dma_start3A_8] : memref<60x128xi32, #tpu.memory_space<vmem>> -> memref<1x128xi32, #tpu.memory_space<vmem>>
    %dma_start3A_10 = tpu.memref_squeeze %dma_start3A_9 : memref<1x128xi32, #tpu.memory_space<vmem>> -> memref<128xi32, #tpu.memory_space<vmem>>
    %dma_start3A_11 = arith.constant 0 : i32
    %dma_start3A_12 = arith.constant 0 : i32
    %dma_start3A_13 = tpu.memref_slice %arg2[%dma_start3A_11, %dma_start3A_12] : memref<10000x128xf32, #tpu.memory_space<hbm>> -> memref<10000x128xf32, #tpu.memory_space<hbm>>
    tpu.enqueue_indirect_dma source(%dma_start3A_13 : memref<10000x128xf32, #tpu.memory_space<hbm>>) target(%arg7 : memref<128x128xf32, #tpu.memory_space<vmem>>) offsets(%dma_start3A_10 : memref<128xi32, #tpu.memory_space<vmem>>) semaphore(%arg10 : memref<!tpu.dma_semaphore, #tpu.memory_space<semaphore_mem>>)
    %scan3A = arith.constant 0 : i32
    %scan3A_14 = arith.constant 0 : i32
    %scan3A_15 = arith.constant 30 : i32
    %scan3A_16 = arith.addi %scan3A_14, %scan3A_15 : i32
    %scan3A_17 = arith.constant 1 : i32
    scf.for %scan3A_21 = %scan3A_14 to %scan3A_16 step %scan3A_17  : i32 {
      %mul3A_22 = arith.constant 2 : i32
      %mul3A_23 = arith.muli %mul3A_22, %scan3A_21 : i32
      %dma_wait3A = arith.constant 0 : i32
      %dma_wait3A_24 = arith.constant 0 : i32
      %dma_wait3A_25 = tpu.memref_slice %arg2[%dma_wait3A, %dma_wait3A_24] : memref<10000x128xf32, #tpu.memory_space<hbm>> -> memref<128x128xf32, #tpu.memory_space<hbm>>
      %dma_wait3A_26 = arith.constant 0 : i32
      %dma_wait3A_27 = arith.constant 0 : i32
      %dma_wait3A_28 = tpu.memref_slice %arg2[%dma_wait3A_26, %dma_wait3A_27] : memref<10000x128xf32, #tpu.memory_space<hbm>> -> memref<128x128xf32, #tpu.memory_space<hbm>>
      tpu.wait_dma2 semaphore(%arg9 : memref<!tpu.dma_semaphore, #tpu.memory_space<semaphore_mem>>) src(%dma_wait3A_28 : memref<128x128xf32, #tpu.memory_space<hbm>>) dst(%arg6 : memref<128x128xf32, #tpu.memory_space<vmem>>)
      %mul3A_29 = arith.constant 4 : i32
      %mul3A_30 = arith.muli %mul3A_23, %mul3A_29 : i32
      %broadcast_in_dim3A = arith.constant 0.000000e+00 : f32
      %broadcast_in_dim3A_31 = vector.broadcast %broadcast_in_dim3A : f32 to vector<16xf32>
      %broadcast_in_dim3A_32 = arith.constant 0.000000e+00 : f32
      %broadcast_in_dim3A_33 = vector.broadcast %broadcast_in_dim3A_32 : f32 to vector<16xf32>
      %broadcast_in_dim3A_34 = arith.constant 0.000000e+00 : f32
      %broadcast_in_dim3A_35 = vector.broadcast %broadcast_in_dim3A_34 : f32 to vector<16xf32>
      %broadcast_in_dim3A_36 = arith.constant 0.000000e+00 : f32
      %broadcast_in_dim3A_37 = vector.broadcast %broadcast_in_dim3A_36 : f32 to vector<16xf32>
      %broadcast_in_dim3A_38 = arith.constant 0.000000e+00 : f32
      %broadcast_in_dim3A_39 = vector.broadcast %broadcast_in_dim3A_38 : f32 to vector<16xf32>
      %broadcast_in_dim3A_40 = arith.constant 0.000000e+00 : f32
      %broadcast_in_dim3A_41 = vector.broadcast %broadcast_in_dim3A_40 : f32 to vector<16xf32>
      %broadcast_in_dim3A_42 = arith.constant 0.000000e+00 : f32
      %broadcast_in_dim3A_43 = vector.broadcast %broadcast_in_dim3A_42 : f32 to vector<16xf32>
      %broadcast_in_dim3A_44 = arith.constant 0.000000e+00 : f32
      %broadcast_in_dim3A_45 = vector.broadcast %broadcast_in_dim3A_44 : f32 to vector<16xf32>
      %scan3A_46 = arith.constant 0 : i32
      %scan3A_47 = arith.constant 16 : i32
      %scan3A_48 = arith.addi %scan3A_46, %scan3A_47 : i32
      %scan3A_49 = arith.constant 1 : i32
      %scan3A_50:8 = scf.for %scan3A_674 = %scan3A_46 to %scan3A_48 step %scan3A_49 iter_args(%scan3A_675 = %broadcast_in_dim3A_31, %scan3A_676 = %broadcast_in_dim3A_33, %scan3A_677 = %broadcast_in_dim3A_35, %scan3A_678 = %broadcast_in_dim3A_37, %scan3A_679 = %broadcast_in_dim3A_39, %scan3A_680 = %broadcast_in_dim3A_41, %scan3A_681 = %broadcast_in_dim3A_43, %scan3A_682 = %broadcast_in_dim3A_45) -> (vector<16xf32>, vector<16xf32>, vector<16xf32>, vector<16xf32>, vector<16xf32>, vector<16xf32>, vector<16xf32>, vector<16xf32>)  : i32 {
        %mul3A_683 = arith.constant 2 : i32
        %mul3A_684 = arith.muli %mul3A_683, %scan3A_674 : i32
        %add3A_685 = arith.constant 0 : i32
        %add3A_686 = arith.addi %add3A_685, %mul3A_684 : i32
        %get3A = arith.index_cast %add3A_686 : i32 to index
        %get3A_687 = arith.constant 0 : index
        %get3A_688 = tpu.vector_load %arg6[%get3A, %get3A_687] {strides = array<i32>} : memref<128x128xf32, #tpu.memory_space<vmem>>, vector<1x16xf32>,
        %get3A_689 = vector.shape_cast %get3A_688 : vector<1x16xf32> to vector<16xf32>
        %add3A_690 = arith.addf %scan3A_675, %get3A_689 : vector<16xf32>
        %get3A_691 = arith.index_cast %add3A_686 : i32 to index
        %get3A_692 = arith.constant 16 : index
        %get3A_693 = tpu.vector_load %arg6[%get3A_691, %get3A_692] {strides = array<i32>} : memref<128x128xf32, #tpu.memory_space<vmem>>, vector<1x16xf32>,
        %get3A_694 = vector.shape_cast %get3A_693 : vector<1x16xf32> to vector<16xf32>
        %add3A_695 = arith.addf %scan3A_676, %get3A_694 : vector<16xf32>
        %get3A_696 = arith.index_cast %add3A_686 : i32 to index
        %get3A_697 = arith.constant 32 : index
        %get3A_698 = tpu.vector_load %arg6[%get3A_696, %get3A_697] {strides = array<i32>} : memref<128x128xf32, #tpu.memory_space<vmem>>, vector<1x16xf32>,
        %get3A_699 = vector.shape_cast %get3A_698 : vector<1x16xf32> to vector<16xf32>
        %add3A_700 = arith.addf %scan3A_677, %get3A_699 : vector<16xf32>
        %get3A_701 = arith.index_cast %add3A_686 : i32 to index
        %get3A_702 = arith.constant 48 : index
        %get3A_703 = tpu.vector_load %arg6[%get3A_701, %get3A_702] {strides = array<i32>} : memref<128x128xf32, #tpu.memory_space<vmem>>, vector<1x16xf32>,
        %get3A_704 = vector.shape_cast %get3A_703 : vector<1x16xf32> to vector<16xf32>
        %add3A_705 = arith.addf %scan3A_678, %get3A_704 : vector<16xf32>
        %get3A_706 = arith.index_cast %add3A_686 : i32 to index
        %get3A_707 = arith.constant 64 : index
        %get3A_708 = tpu.vector_load %arg6[%get3A_706, %get3A_707] {strides = array<i32>} : memref<128x128xf32, #tpu.memory_space<vmem>>, vector<1x16xf32>,
        %get3A_709 = vector.shape_cast %get3A_708 : vector<1x16xf32> to vector<16xf32>
        %add3A_710 = arith.addf %scan3A_679, %get3A_709 : vector<16xf32>
        %get3A_711 = arith.index_cast %add3A_686 : i32 to index
        %get3A_712 = arith.constant 80 : index
        %get3A_713 = tpu.vector_load %arg6[%get3A_711, %get3A_712] {strides = array<i32>} : memref<128x128xf32, #tpu.memory_space<vmem>>, vector<1x16xf32>,
        %get3A_714 = vector.shape_cast %get3A_713 : vector<1x16xf32> to vector<16xf32>
        %add3A_715 = arith.addf %scan3A_680, %get3A_714 : vector<16xf32>
        %get3A_716 = arith.index_cast %add3A_686 : i32 to index
        %get3A_717 = arith.constant 96 : index
        %get3A_718 = tpu.vector_load %arg6[%get3A_716, %get3A_717] {strides = array<i32>} : memref<128x128xf32, #tpu.memory_space<vmem>>, vector<1x16xf32>,
        %get3A_719 = vector.shape_cast %get3A_718 : vector<1x16xf32> to vector<16xf32>
        %add3A_720 = arith.addf %scan3A_681, %get3A_719 : vector<16xf32>
        %get3A_721 = arith.index_cast %add3A_686 : i32 to index
        %get3A_722 = arith.constant 112 : index
        %get3A_723 = tpu.vector_load %arg6[%get3A_721, %get3A_722] {strides = array<i32>} : memref<128x128xf32, #tpu.memory_space<vmem>>, vector<1x16xf32>,
        %get3A_724 = vector.shape_cast %get3A_723 : vector<1x16xf32> to vector<16xf32>
        %add3A_725 = arith.addf %scan3A_682, %get3A_724 : vector<16xf32>
        %add3A_726 = arith.constant 1 : i32
        %add3A_727 = arith.addi %add3A_686, %add3A_726 : i32
        %get3A_728 = arith.index_cast %add3A_727 : i32 to index
        %get3A_729 = arith.constant 0 : index
        %get3A_730 = tpu.vector_load %arg6[%get3A_728, %get3A_729] {strides = array<i32>} : memref<128x128xf32, #tpu.memory_space<vmem>>, vector<1x16xf32>,
        %get3A_731 = vector.shape_cast %get3A_730 : vector<1x16xf32> to vector<16xf32>
        %add3A_732 = arith.addf %add3A_690, %get3A_731 : vector<16xf32>
        %add3A_733 = arith.constant 1 : i32
        %add3A_734 = arith.addi %add3A_686, %add3A_733 : i32
        %get3A_735 = arith.index_cast %add3A_734 : i32 to index
        %get3A_736 = arith.constant 16 : index
        %get3A_737 = tpu.vector_load %arg6[%get3A_735, %get3A_736] {strides = array<i32>} : memref<128x128xf32, #tpu.memory_space<vmem>>, vector<1x16xf32>,
        %get3A_738 = vector.shape_cast %get3A_737 : vector<1x16xf32> to vector<16xf32>
        %add3A_739 = arith.addf %add3A_695, %get3A_738 : vector<16xf32>
        %add3A_740 = arith.constant 1 : i32
        %add3A_741 = arith.addi %add3A_686, %add3A_740 : i32
        %get3A_742 = arith.index_cast %add3A_741 : i32 to index
        %get3A_743 = arith.constant 32 : index
        %get3A_744 = tpu.vector_load %arg6[%get3A_742, %get3A_743] {strides = array<i32>} : memref<128x128xf32, #tpu.memory_space<vmem>>, vector<1x16xf32>,
        %get3A_745 = vector.shape_cast %get3A_744 : vector<1x16xf32> to vector<16xf32>
        %add3A_746 = arith.addf %add3A_700, %get3A_745 : vector<16xf32>
        %add3A_747 = arith.constant 1 : i32
        %add3A_748 = arith.addi %add3A_686, %add3A_747 : i32
        %get3A_749 = arith.index_cast %add3A_748 : i32 to index
        %get3A_750 = arith.constant 48 : index
        %get3A_751 = tpu.vector_load %arg6[%get3A_749, %get3A_750] {strides = array<i32>} : memref<128x128xf32, #tpu.memory_space<vmem>>, vector<1x16xf32>,
        %get3A_752 = vector.shape_cast %get3A_751 : vector<1x16xf32> to vector<16xf32>
        %add3A_753 = arith.addf %add3A_705, %get3A_752 : vector<16xf32>
        %add3A_754 = arith.constant 1 : i32
        %add3A_755 = arith.addi %add3A_686, %add3A_754 : i32
        %get3A_756 = arith.index_cast %add3A_755 : i32 to index
        %get3A_757 = arith.constant 64 : index
        %get3A_758 = tpu.vector_load %arg6[%get3A_756, %get3A_757] {strides = array<i32>} : memref<128x128xf32, #tpu.memory_space<vmem>>, vector<1x16xf32>,
        %get3A_759 = vector.shape_cast %get3A_758 : vector<1x16xf32> to vector<16xf32>
        %add3A_760 = arith.addf %add3A_710, %get3A_759 : vector<16xf32>
        %add3A_761 = arith.constant 1 : i32
        %add3A_762 = arith.addi %add3A_686, %add3A_761 : i32
        %get3A_763 = arith.index_cast %add3A_762 : i32 to index
        %get3A_764 = arith.constant 80 : index
        %get3A_765 = tpu.vector_load %arg6[%get3A_763, %get3A_764] {strides = array<i32>} : memref<128x128xf32, #tpu.memory_space<vmem>>, vector<1x16xf32>,
        %get3A_766 = vector.shape_cast %get3A_765 : vector<1x16xf32> to vector<16xf32>
        %add3A_767 = arith.addf %add3A_715, %get3A_766 : vector<16xf32>
        %add3A_768 = arith.constant 1 : i32
        %add3A_769 = arith.addi %add3A_686, %add3A_768 : i32
        %get3A_770 = arith.index_cast %add3A_769 : i32 to index
        %get3A_771 = arith.constant 96 : index
        %get3A_772 = tpu.vector_load %arg6[%get3A_770, %get3A_771] {strides = array<i32>} : memref<128x128xf32, #tpu.memory_space<vmem>>, vector<1x16xf32>,
        %get3A_773 = vector.shape_cast %get3A_772 : vector<1x16xf32> to vector<16xf32>
        %add3A_774 = arith.addf %add3A_720, %get3A_773 : vector<16xf32>
        %add3A_775 = arith.constant 1 : i32
        %add3A_776 = arith.addi %add3A_686, %add3A_775 : i32
        %get3A_777 = arith.index_cast %add3A_776 : i32 to index
        %get3A_778 = arith.constant 112 : index
        %get3A_779 = tpu.vector_load %arg6[%get3A_777, %get3A_778] {strides = array<i32>} : memref<128x128xf32, #tpu.memory_space<vmem>>, vector<1x16xf32>,
        %get3A_780 = vector.shape_cast %get3A_779 : vector<1x16xf32> to vector<16xf32>
        %add3A_781 = arith.addf %add3A_725, %get3A_780 : vector<16xf32>
        scf.yield %add3A_732, %add3A_739, %add3A_746, %add3A_753, %add3A_760, %add3A_767, %add3A_774, %add3A_781 : vector<16xf32>, vector<16xf32>, vector<16xf32>, vector<16xf32>, vector<16xf32>, vector<16xf32>, vector<16xf32>, vector<16xf32>
      }
      %scan3A_51 = arith.constant 16 : i32
      %add3A_52 = arith.constant 0 : i32
      %add3A_53 = arith.addi %mul3A_30, %add3A_52 : i32
      %swap3A = arith.index_cast %add3A_53 : i32 to index
      %swap3A_54 = arith.constant 0 : index
      %swap3A_55 = tpu.vector_load %arg8[%swap3A, %swap3A_54] {strides = array<i32>} : memref<240x128xf32, #tpu.memory_space<vmem>>, vector<1x16xf32>,
      %swap3A_56 = vector.shape_cast %swap3A_55 : vector<1x16xf32> to vector<16xf32>
      %swap3A_57 = vector.shape_cast %scan3A_50#0 : vector<16xf32> to vector<1x16xf32>
      tpu.vector_store %arg8[%swap3A, %swap3A_54], %swap3A_57 {strides = array<i32>} : memref<240x128xf32, #tpu.memory_space<vmem>>, vector<1x16xf32>,
      %add3A_58 = arith.constant 0 : i32
      %add3A_59 = arith.addi %mul3A_30, %add3A_58 : i32
      %swap3A_60 = arith.index_cast %add3A_59 : i32 to index
      %swap3A_61 = arith.constant 16 : index
      %swap3A_62 = tpu.vector_load %arg8[%swap3A_60, %swap3A_61] {strides = array<i32>} : memref<240x128xf32, #tpu.memory_space<vmem>>, vector<1x16xf32>,
      %swap3A_63 = vector.shape_cast %swap3A_62 : vector<1x16xf32> to vector<16xf32>
      %swap3A_64 = vector.shape_cast %scan3A_50#1 : vector<16xf32> to vector<1x16xf32>
      tpu.vector_store %arg8[%swap3A_60, %swap3A_61], %swap3A_64 {strides = array<i32>} : memref<240x128xf32, #tpu.memory_space<vmem>>, vector<1x16xf32>,
      %add3A_65 = arith.constant 0 : i32
      %add3A_66 = arith.addi %mul3A_30, %add3A_65 : i32
      %swap3A_67 = arith.index_cast %add3A_66 : i32 to index
      %swap3A_68 = arith.constant 32 : index
      %swap3A_69 = tpu.vector_load %arg8[%swap3A_67, %swap3A_68] {strides = array<i32>} : memref<240x128xf32, #tpu.memory_space<vmem>>, vector<1x16xf32>,
      %swap3A_70 = vector.shape_cast %swap3A_69 : vector<1x16xf32> to vector<16xf32>
      %swap3A_71 = vector.shape_cast %scan3A_50#2 : vector<16xf32> to vector<1x16xf32>
      tpu.vector_store %arg8[%swap3A_67, %swap3A_68], %swap3A_71 {strides = array<i32>} : memref<240x128xf32, #tpu.memory_space<vmem>>, vector<1x16xf32>,
      %add3A_72 = arith.constant 0 : i32
      %add3A_73 = arith.addi %mul3A_30, %add3A_72 : i32
      %swap3A_74 = arith.index_cast %add3A_73 : i32 to index
      %swap3A_75 = arith.constant 48 : index
      %swap3A_76 = tpu.vector_load %arg8[%swap3A_74, %swap3A_75] {strides = array<i32>} : memref<240x128xf32, #tpu.memory_space<vmem>>, vector<1x16xf32>,
      %swap3A_77 = vector.shape_cast %swap3A_76 : vector<1x16xf32> to vector<16xf32>
      %swap3A_78 = vector.shape_cast %scan3A_50#3 : vector<16xf32> to vector<1x16xf32>
      tpu.vector_store %arg8[%swap3A_74, %swap3A_75], %swap3A_78 {strides = array<i32>} : memref<240x128xf32, #tpu.memory_space<vmem>>, vector<1x16xf32>,
      %add3A_79 = arith.constant 0 : i32
      %add3A_80 = arith.addi %mul3A_30, %add3A_79 : i32
      %swap3A_81 = arith.index_cast %add3A_80 : i32 to index
      %swap3A_82 = arith.constant 64 : index
      %swap3A_83 = tpu.vector_load %arg8[%swap3A_81, %swap3A_82] {strides = array<i32>} : memref<240x128xf32, #tpu.memory_space<vmem>>, vector<1x16xf32>,
      %swap3A_84 = vector.shape_cast %swap3A_83 : vector<1x16xf32> to vector<16xf32>
      %swap3A_85 = vector.shape_cast %scan3A_50#4 : vector<16xf32> to vector<1x16xf32>
      tpu.vector_store %arg8[%swap3A_81, %swap3A_82], %swap3A_85 {strides = array<i32>} : memref<240x128xf32, #tpu.memory_space<vmem>>, vector<1x16xf32>,
      %add3A_86 = arith.constant 0 : i32
      %add3A_87 = arith.addi %mul3A_30, %add3A_86 : i32
      %swap3A_88 = arith.index_cast %add3A_87 : i32 to index
      %swap3A_89 = arith.constant 80 : index
      %swap3A_90 = tpu.vector_load %arg8[%swap3A_88, %swap3A_89] {strides = array<i32>} : memref<240x128xf32, #tpu.memory_space<vmem>>, vector<1x16xf32>,
      %swap3A_91 = vector.shape_cast %swap3A_90 : vector<1x16xf32> to vector<16xf32>
      %swap3A_92 = vector.shape_cast %scan3A_50#5 : vector<16xf32> to vector<1x16xf32>
      tpu.vector_store %arg8[%swap3A_88, %swap3A_89], %swap3A_92 {strides = array<i32>} : memref<240x128xf32, #tpu.memory_space<vmem>>, vector<1x16xf32>,
      %add3A_93 = arith.constant 0 : i32
      %add3A_94 = arith.addi %mul3A_30, %add3A_93 : i32
      %swap3A_95 = arith.index_cast %add3A_94 : i32 to index
      %swap3A_96 = arith.constant 96 : index
      %swap3A_97 = tpu.vector_load %arg8[%swap3A_95, %swap3A_96] {strides = array<i32>} : memref<240x128xf32, #tpu.memory_space<vmem>>, vector<1x16xf32>,
      %swap3A_98 = vector.shape_cast %swap3A_97 : vector<1x16xf32> to vector<16xf32>
      %swap3A_99 = vector.shape_cast %scan3A_50#6 : vector<16xf32> to vector<1x16xf32>
      tpu.vector_store %arg8[%swap3A_95, %swap3A_96], %swap3A_99 {strides = array<i32>} : memref<240x128xf32, #tpu.memory_space<vmem>>, vector<1x16xf32>,
      %add3A_100 = arith.constant 0 : i32
      %add3A_101 = arith.addi %mul3A_30, %add3A_100 : i32
      %swap3A_102 = arith.index_cast %add3A_101 : i32 to index
      %swap3A_103 = arith.constant 112 : index
      %swap3A_104 = tpu.vector_load %arg8[%swap3A_102, %swap3A_103] {strides = array<i32>} : memref<240x128xf32, #tpu.memory_space<vmem>>, vector<1x16xf32>,
      %swap3A_105 = vector.shape_cast %swap3A_104 : vector<1x16xf32> to vector<16xf32>
      %swap3A_106 = vector.shape_cast %scan3A_50#7 : vector<16xf32> to vector<1x16xf32>
      tpu.vector_store %arg8[%swap3A_102, %swap3A_103], %swap3A_106 {strides = array<i32>} : memref<240x128xf32, #tpu.memory_space<vmem>>, vector<1x16xf32>,
      %broadcast_in_dim3A_107 = arith.constant 0.000000e+00 : f32
      %broadcast_in_dim3A_108 = vector.broadcast %broadcast_in_dim3A_107 : f32 to vector<16xf32>
      %broadcast_in_dim3A_109 = arith.constant 0.000000e+00 : f32
      %broadcast_in_dim3A_110 = vector.broadcast %broadcast_in_dim3A_109 : f32 to vector<16xf32>
      %broadcast_in_dim3A_111 = arith.constant 0.000000e+00 : f32
      %broadcast_in_dim3A_112 = vector.broadcast %broadcast_in_dim3A_111 : f32 to vector<16xf32>
      %broadcast_in_dim3A_113 = arith.constant 0.000000e+00 : f32
      %broadcast_in_dim3A_114 = vector.broadcast %broadcast_in_dim3A_113 : f32 to vector<16xf32>
      %broadcast_in_dim3A_115 = arith.constant 0.000000e+00 : f32
      %broadcast_in_dim3A_116 = vector.broadcast %broadcast_in_dim3A_115 : f32 to vector<16xf32>
      %broadcast_in_dim3A_117 = arith.constant 0.000000e+00 : f32
      %broadcast_in_dim3A_118 = vector.broadcast %broadcast_in_dim3A_117 : f32 to vector<16xf32>
      %broadcast_in_dim3A_119 = arith.constant 0.000000e+00 : f32
      %broadcast_in_dim3A_120 = vector.broadcast %broadcast_in_dim3A_119 : f32 to vector<16xf32>
      %broadcast_in_dim3A_121 = arith.constant 0.000000e+00 : f32
      %broadcast_in_dim3A_122 = vector.broadcast %broadcast_in_dim3A_121 : f32 to vector<16xf32>
      %scan3A_123 = arith.constant 0 : i32
      %scan3A_124 = arith.constant 16 : i32
      %scan3A_125 = arith.addi %scan3A_123, %scan3A_124 : i32
      %scan3A_126 = arith.constant 1 : i32
      %scan3A_127:8 = scf.for %scan3A_674 = %scan3A_123 to %scan3A_125 step %scan3A_126 iter_args(%scan3A_675 = %broadcast_in_dim3A_108, %scan3A_676 = %broadcast_in_dim3A_110, %scan3A_677 = %broadcast_in_dim3A_112, %scan3A_678 = %broadcast_in_dim3A_114, %scan3A_679 = %broadcast_in_dim3A_116, %scan3A_680 = %broadcast_in_dim3A_118, %scan3A_681 = %broadcast_in_dim3A_120, %scan3A_682 = %broadcast_in_dim3A_122) -> (vector<16xf32>, vector<16xf32>, vector<16xf32>, vector<16xf32>, vector<16xf32>, vector<16xf32>, vector<16xf32>, vector<16xf32>)  : i32 {
        %mul3A_683 = arith.constant 2 : i32
        %mul3A_684 = arith.muli %mul3A_683, %scan3A_674 : i32
        %add3A_685 = arith.constant 32 : i32
        %add3A_686 = arith.addi %add3A_685, %mul3A_684 : i32
        %get3A = arith.index_cast %add3A_686 : i32 to index
        %get3A_687 = arith.constant 0 : index
        %get3A_688 = tpu.vector_load %arg6[%get3A, %get3A_687] {strides = array<i32>} : memref<128x128xf32, #tpu.memory_space<vmem>>, vector<1x16xf32>,
        %get3A_689 = vector.shape_cast %get3A_688 : vector<1x16xf32> to vector<16xf32>
        %add3A_690 = arith.addf %scan3A_675, %get3A_689 : vector<16xf32>
        %get3A_691 = arith.index_cast %add3A_686 : i32 to index
        %get3A_692 = arith.constant 16 : index
        %get3A_693 = tpu.vector_load %arg6[%get3A_691, %get3A_692] {strides = array<i32>} : memref<128x128xf32, #tpu.memory_space<vmem>>, vector<1x16xf32>,
        %get3A_694 = vector.shape_cast %get3A_693 : vector<1x16xf32> to vector<16xf32>
        %add3A_695 = arith.addf %scan3A_676, %get3A_694 : vector<16xf32>
        %get3A_696 = arith.index_cast %add3A_686 : i32 to index
        %get3A_697 = arith.constant 32 : index
        %get3A_698 = tpu.vector_load %arg6[%get3A_696, %get3A_697] {strides = array<i32>} : memref<128x128xf32, #tpu.memory_space<vmem>>, vector<1x16xf32>,
        %get3A_699 = vector.shape_cast %get3A_698 : vector<1x16xf32> to vector<16xf32>
        %add3A_700 = arith.addf %scan3A_677, %get3A_699 : vector<16xf32>
        %get3A_701 = arith.index_cast %add3A_686 : i32 to index
        %get3A_702 = arith.constant 48 : index
        %get3A_703 = tpu.vector_load %arg6[%get3A_701, %get3A_702] {strides = array<i32>} : memref<128x128xf32, #tpu.memory_space<vmem>>, vector<1x16xf32>,
        %get3A_704 = vector.shape_cast %get3A_703 : vector<1x16xf32> to vector<16xf32>
        %add3A_705 = arith.addf %scan3A_678, %get3A_704 : vector<16xf32>
        %get3A_706 = arith.index_cast %add3A_686 : i32 to index
        %get3A_707 = arith.constant 64 : index
        %get3A_708 = tpu.vector_load %arg6[%get3A_706, %get3A_707] {strides = array<i32>} : memref<128x128xf32, #tpu.memory_space<vmem>>, vector<1x16xf32>,
        %get3A_709 = vector.shape_cast %get3A_708 : vector<1x16xf32> to vector<16xf32>
        %add3A_710 = arith.addf %scan3A_679, %get3A_709 : vector<16xf32>
        %get3A_711 = arith.index_cast %add3A_686 : i32 to index
        %get3A_712 = arith.constant 80 : index
        %get3A_713 = tpu.vector_load %arg6[%get3A_711, %get3A_712] {strides = array<i32>} : memref<128x128xf32, #tpu.memory_space<vmem>>, vector<1x16xf32>,
        %get3A_714 = vector.shape_cast %get3A_713 : vector<1x16xf32> to vector<16xf32>
        %add3A_715 = arith.addf %scan3A_680, %get3A_714 : vector<16xf32>
        %get3A_716 = arith.index_cast %add3A_686 : i32 to index
        %get3A_717 = arith.constant 96 : index
        %get3A_718 = tpu.vector_load %arg6[%get3A_716, %get3A_717] {strides = array<i32>} : memref<128x128xf32, #tpu.memory_space<vmem>>, vector<1x16xf32>,
        %get3A_719 = vector.shape_cast %get3A_718 : vector<1x16xf32> to vector<16xf32>
        %add3A_720 = arith.addf %scan3A_681, %get3A_719 : vector<16xf32>
        %get3A_721 = arith.index_cast %add3A_686 : i32 to index
        %get3A_722 = arith.constant 112 : index
        %get3A_723 = tpu.vector_load %arg6[%get3A_721, %get3A_722] {strides = array<i32>} : memref<128x128xf32, #tpu.memory_space<vmem>>, vector<1x16xf32>,
        %get3A_724 = vector.shape_cast %get3A_723 : vector<1x16xf32> to vector<16xf32>
        %add3A_725 = arith.addf %scan3A_682, %get3A_724 : vector<16xf32>
        %add3A_726 = arith.constant 1 : i32
        %add3A_727 = arith.addi %add3A_686, %add3A_726 : i32
        %get3A_728 = arith.index_cast %add3A_727 : i32 to index
        %get3A_729 = arith.constant 0 : index
        %get3A_730 = tpu.vector_load %arg6[%get3A_728, %get3A_729] {strides = array<i32>} : memref<128x128xf32, #tpu.memory_space<vmem>>, vector<1x16xf32>,
        %get3A_731 = vector.shape_cast %get3A_730 : vector<1x16xf32> to vector<16xf32>
        %add3A_732 = arith.addf %add3A_690, %get3A_731 : vector<16xf32>
        %add3A_733 = arith.constant 1 : i32
        %add3A_734 = arith.addi %add3A_686, %add3A_733 : i32
        %get3A_735 = arith.index_cast %add3A_734 : i32 to index
        %get3A_736 = arith.constant 16 : index
        %get3A_737 = tpu.vector_load %arg6[%get3A_735, %get3A_736] {strides = array<i32>} : memref<128x128xf32, #tpu.memory_space<vmem>>, vector<1x16xf32>,
        %get3A_738 = vector.shape_cast %get3A_737 : vector<1x16xf32> to vector<16xf32>
        %add3A_739 = arith.addf %add3A_695, %get3A_738 : vector<16xf32>
        %add3A_740 = arith.constant 1 : i32
        %add3A_741 = arith.addi %add3A_686, %add3A_740 : i32
        %get3A_742 = arith.index_cast %add3A_741 : i32 to index
        %get3A_743 = arith.constant 32 : index
        %get3A_744 = tpu.vector_load %arg6[%get3A_742, %get3A_743] {strides = array<i32>} : memref<128x128xf32, #tpu.memory_space<vmem>>, vector<1x16xf32>,
        %get3A_745 = vector.shape_cast %get3A_744 : vector<1x16xf32> to vector<16xf32>
        %add3A_746 = arith.addf %add3A_700, %get3A_745 : vector<16xf32>
        %add3A_747 = arith.constant 1 : i32
        %add3A_748 = arith.addi %add3A_686, %add3A_747 : i32
        %get3A_749 = arith.index_cast %add3A_748 : i32 to index
        %get3A_750 = arith.constant 48 : index
        %get3A_751 = tpu.vector_load %arg6[%get3A_749, %get3A_750] {strides = array<i32>} : memref<128x128xf32, #tpu.memory_space<vmem>>, vector<1x16xf32>,
        %get3A_752 = vector.shape_cast %get3A_751 : vector<1x16xf32> to vector<16xf32>
        %add3A_753 = arith.addf %add3A_705, %get3A_752 : vector<16xf32>
        %add3A_754 = arith.constant 1 : i32
        %add3A_755 = arith.addi %add3A_686, %add3A_754 : i32
        %get3A_756 = arith.index_cast %add3A_755 : i32 to index
        %get3A_757 = arith.constant 64 : index
        %get3A_758 = tpu.vector_load %arg6[%get3A_756, %get3A_757] {strides = array<i32>} : memref<128x128xf32, #tpu.memory_space<vmem>>, vector<1x16xf32>,
        %get3A_759 = vector.shape_cast %get3A_758 : vector<1x16xf32> to vector<16xf32>
        %add3A_760 = arith.addf %add3A_710, %get3A_759 : vector<16xf32>
        %add3A_761 = arith.constant 1 : i32
        %add3A_762 = arith.addi %add3A_686, %add3A_761 : i32
        %get3A_763 = arith.index_cast %add3A_762 : i32 to index
        %get3A_764 = arith.constant 80 : index
        %get3A_765 = tpu.vector_load %arg6[%get3A_763, %get3A_764] {strides = array<i32>} : memref<128x128xf32, #tpu.memory_space<vmem>>, vector<1x16xf32>,
        %get3A_766 = vector.shape_cast %get3A_765 : vector<1x16xf32> to vector<16xf32>
        %add3A_767 = arith.addf %add3A_715, %get3A_766 : vector<16xf32>
        %add3A_768 = arith.constant 1 : i32
        %add3A_769 = arith.addi %add3A_686, %add3A_768 : i32
        %get3A_770 = arith.index_cast %add3A_769 : i32 to index
        %get3A_771 = arith.constant 96 : index
        %get3A_772 = tpu.vector_load %arg6[%get3A_770, %get3A_771] {strides = array<i32>} : memref<128x128xf32, #tpu.memory_space<vmem>>, vector<1x16xf32>,
        %get3A_773 = vector.shape_cast %get3A_772 : vector<1x16xf32> to vector<16xf32>
        %add3A_774 = arith.addf %add3A_720, %get3A_773 : vector<16xf32>
        %add3A_775 = arith.constant 1 : i32
        %add3A_776 = arith.addi %add3A_686, %add3A_775 : i32
        %get3A_777 = arith.index_cast %add3A_776 : i32 to index
        %get3A_778 = arith.constant 112 : index
        %get3A_779 = tpu.vector_load %arg6[%get3A_777, %get3A_778] {strides = array<i32>} : memref<128x128xf32, #tpu.memory_space<vmem>>, vector<1x16xf32>,
        %get3A_780 = vector.shape_cast %get3A_779 : vector<1x16xf32> to vector<16xf32>
        %add3A_781 = arith.addf %add3A_725, %get3A_780 : vector<16xf32>
        scf.yield %add3A_732, %add3A_739, %add3A_746, %add3A_753, %add3A_760, %add3A_767, %add3A_774, %add3A_781 : vector<16xf32>, vector<16xf32>, vector<16xf32>, vector<16xf32>, vector<16xf32>, vector<16xf32>, vector<16xf32>, vector<16xf32>
      }
      %scan3A_128 = arith.constant 16 : i32
      %add3A_129 = arith.constant 1 : i32
      %add3A_130 = arith.addi %mul3A_30, %add3A_129 : i32
      %swap3A_131 = arith.index_cast %add3A_130 : i32 to index
      %swap3A_132 = arith.constant 0 : index
      %swap3A_133 = tpu.vector_load %arg8[%swap3A_131, %swap3A_132] {strides = array<i32>} : memref<240x128xf32, #tpu.memory_space<vmem>>, vector<1x16xf32>,
      %swap3A_134 = vector.shape_cast %swap3A_133 : vector<1x16xf32> to vector<16xf32>
      %swap3A_135 = vector.shape_cast %scan3A_127#0 : vector<16xf32> to vector<1x16xf32>
      tpu.vector_store %arg8[%swap3A_131, %swap3A_132], %swap3A_135 {strides = array<i32>} : memref<240x128xf32, #tpu.memory_space<vmem>>, vector<1x16xf32>,
      %add3A_136 = arith.constant 1 : i32
      %add3A_137 = arith.addi %mul3A_30, %add3A_136 : i32
      %swap3A_138 = arith.index_cast %add3A_137 : i32 to index
      %swap3A_139 = arith.constant 16 : index
      %swap3A_140 = tpu.vector_load %arg8[%swap3A_138, %swap3A_139] {strides = array<i32>} : memref<240x128xf32, #tpu.memory_space<vmem>>, vector<1x16xf32>,
      %swap3A_141 = vector.shape_cast %swap3A_140 : vector<1x16xf32> to vector<16xf32>
      %swap3A_142 = vector.shape_cast %scan3A_127#1 : vector<16xf32> to vector<1x16xf32>
      tpu.vector_store %arg8[%swap3A_138, %swap3A_139], %swap3A_142 {strides = array<i32>} : memref<240x128xf32, #tpu.memory_space<vmem>>, vector<1x16xf32>,
      %add3A_143 = arith.constant 1 : i32
      %add3A_144 = arith.addi %mul3A_30, %add3A_143 : i32
      %swap3A_145 = arith.index_cast %add3A_144 : i32 to index
      %swap3A_146 = arith.constant 32 : index
      %swap3A_147 = tpu.vector_load %arg8[%swap3A_145, %swap3A_146] {strides = array<i32>} : memref<240x128xf32, #tpu.memory_space<vmem>>, vector<1x16xf32>,
      %swap3A_148 = vector.shape_cast %swap3A_147 : vector<1x16xf32> to vector<16xf32>
      %swap3A_149 = vector.shape_cast %scan3A_127#2 : vector<16xf32> to vector<1x16xf32>
      tpu.vector_store %arg8[%swap3A_145, %swap3A_146], %swap3A_149 {strides = array<i32>} : memref<240x128xf32, #tpu.memory_space<vmem>>, vector<1x16xf32>,
      %add3A_150 = arith.constant 1 : i32
      %add3A_151 = arith.addi %mul3A_30, %add3A_150 : i32
      %swap3A_152 = arith.index_cast %add3A_151 : i32 to index
      %swap3A_153 = arith.constant 48 : index
      %swap3A_154 = tpu.vector_load %arg8[%swap3A_152, %swap3A_153] {strides = array<i32>} : memref<240x128xf32, #tpu.memory_space<vmem>>, vector<1x16xf32>,
      %swap3A_155 = vector.shape_cast %swap3A_154 : vector<1x16xf32> to vector<16xf32>
      %swap3A_156 = vector.shape_cast %scan3A_127#3 : vector<16xf32> to vector<1x16xf32>
      tpu.vector_store %arg8[%swap3A_152, %swap3A_153], %swap3A_156 {strides = array<i32>} : memref<240x128xf32, #tpu.memory_space<vmem>>, vector<1x16xf32>,
      %add3A_157 = arith.constant 1 : i32
      %add3A_158 = arith.addi %mul3A_30, %add3A_157 : i32
      %swap3A_159 = arith.index_cast %add3A_158 : i32 to index
      %swap3A_160 = arith.constant 64 : index
      %swap3A_161 = tpu.vector_load %arg8[%swap3A_159, %swap3A_160] {strides = array<i32>} : memref<240x128xf32, #tpu.memory_space<vmem>>, vector<1x16xf32>,
      %swap3A_162 = vector.shape_cast %swap3A_161 : vector<1x16xf32> to vector<16xf32>
      %swap3A_163 = vector.shape_cast %scan3A_127#4 : vector<16xf32> to vector<1x16xf32>
      tpu.vector_store %arg8[%swap3A_159, %swap3A_160], %swap3A_163 {strides = array<i32>} : memref<240x128xf32, #tpu.memory_space<vmem>>, vector<1x16xf32>,
      %add3A_164 = arith.constant 1 : i32
      %add3A_165 = arith.addi %mul3A_30, %add3A_164 : i32
      %swap3A_166 = arith.index_cast %add3A_165 : i32 to index
      %swap3A_167 = arith.constant 80 : index
      %swap3A_168 = tpu.vector_load %arg8[%swap3A_166, %swap3A_167] {strides = array<i32>} : memref<240x128xf32, #tpu.memory_space<vmem>>, vector<1x16xf32>,
      %swap3A_169 = vector.shape_cast %swap3A_168 : vector<1x16xf32> to vector<16xf32>
      %swap3A_170 = vector.shape_cast %scan3A_127#5 : vector<16xf32> to vector<1x16xf32>
      tpu.vector_store %arg8[%swap3A_166, %swap3A_167], %swap3A_170 {strides = array<i32>} : memref<240x128xf32, #tpu.memory_space<vmem>>, vector<1x16xf32>,
      %add3A_171 = arith.constant 1 : i32
      %add3A_172 = arith.addi %mul3A_30, %add3A_171 : i32
      %swap3A_173 = arith.index_cast %add3A_172 : i32 to index
      %swap3A_174 = arith.constant 96 : index
      %swap3A_175 = tpu.vector_load %arg8[%swap3A_173, %swap3A_174] {strides = array<i32>} : memref<240x128xf32, #tpu.memory_space<vmem>>, vector<1x16xf32>,
      %swap3A_176 = vector.shape_cast %swap3A_175 : vector<1x16xf32> to vector<16xf32>
      %swap3A_177 = vector.shape_cast %scan3A_127#6 : vector<16xf32> to vector<1x16xf32>
      tpu.vector_store %arg8[%swap3A_173, %swap3A_174], %swap3A_177 {strides = array<i32>} : memref<240x128xf32, #tpu.memory_space<vmem>>, vector<1x16xf32>,
      %add3A_178 = arith.constant 1 : i32
      %add3A_179 = arith.addi %mul3A_30, %add3A_178 : i32
      %swap3A_180 = arith.index_cast %add3A_179 : i32 to index
      %swap3A_181 = arith.constant 112 : index
      %swap3A_182 = tpu.vector_load %arg8[%swap3A_180, %swap3A_181] {strides = array<i32>} : memref<240x128xf32, #tpu.memory_space<vmem>>, vector<1x16xf32>,
      %swap3A_183 = vector.shape_cast %swap3A_182 : vector<1x16xf32> to vector<16xf32>
      %swap3A_184 = vector.shape_cast %scan3A_127#7 : vector<16xf32> to vector<1x16xf32>
      tpu.vector_store %arg8[%swap3A_180, %swap3A_181], %swap3A_184 {strides = array<i32>} : memref<240x128xf32, #tpu.memory_space<vmem>>, vector<1x16xf32>,
      %broadcast_in_dim3A_185 = arith.constant 0.000000e+00 : f32
      %broadcast_in_dim3A_186 = vector.broadcast %broadcast_in_dim3A_185 : f32 to vector<16xf32>
      %broadcast_in_dim3A_187 = arith.constant 0.000000e+00 : f32
      %broadcast_in_dim3A_188 = vector.broadcast %broadcast_in_dim3A_187 : f32 to vector<16xf32>
      %broadcast_in_dim3A_189 = arith.constant 0.000000e+00 : f32
      %broadcast_in_dim3A_190 = vector.broadcast %broadcast_in_dim3A_189 : f32 to vector<16xf32>
      %broadcast_in_dim3A_191 = arith.constant 0.000000e+00 : f32
      %broadcast_in_dim3A_192 = vector.broadcast %broadcast_in_dim3A_191 : f32 to vector<16xf32>
      %broadcast_in_dim3A_193 = arith.constant 0.000000e+00 : f32
      %broadcast_in_dim3A_194 = vector.broadcast %broadcast_in_dim3A_193 : f32 to vector<16xf32>
      %broadcast_in_dim3A_195 = arith.constant 0.000000e+00 : f32
      %broadcast_in_dim3A_196 = vector.broadcast %broadcast_in_dim3A_195 : f32 to vector<16xf32>
      %broadcast_in_dim3A_197 = arith.constant 0.000000e+00 : f32
      %broadcast_in_dim3A_198 = vector.broadcast %broadcast_in_dim3A_197 : f32 to vector<16xf32>
      %broadcast_in_dim3A_199 = arith.constant 0.000000e+00 : f32
      %broadcast_in_dim3A_200 = vector.broadcast %broadcast_in_dim3A_199 : f32 to vector<16xf32>
      %scan3A_201 = arith.constant 0 : i32
      %scan3A_202 = arith.constant 16 : i32
      %scan3A_203 = arith.addi %scan3A_201, %scan3A_202 : i32
      %scan3A_204 = arith.constant 1 : i32
      %scan3A_205:8 = scf.for %scan3A_674 = %scan3A_201 to %scan3A_203 step %scan3A_204 iter_args(%scan3A_675 = %broadcast_in_dim3A_186, %scan3A_676 = %broadcast_in_dim3A_188, %scan3A_677 = %broadcast_in_dim3A_190, %scan3A_678 = %broadcast_in_dim3A_192, %scan3A_679 = %broadcast_in_dim3A_194, %scan3A_680 = %broadcast_in_dim3A_196, %scan3A_681 = %broadcast_in_dim3A_198, %scan3A_682 = %broadcast_in_dim3A_200) -> (vector<16xf32>, vector<16xf32>, vector<16xf32>, vector<16xf32>, vector<16xf32>, vector<16xf32>, vector<16xf32>, vector<16xf32>)  : i32 {
        %mul3A_683 = arith.constant 2 : i32
        %mul3A_684 = arith.muli %mul3A_683, %scan3A_674 : i32
        %add3A_685 = arith.constant 64 : i32
        %add3A_686 = arith.addi %add3A_685, %mul3A_684 : i32
        %get3A = arith.index_cast %add3A_686 : i32 to index
        %get3A_687 = arith.constant 0 : index
        %get3A_688 = tpu.vector_load %arg6[%get3A, %get3A_687] {strides = array<i32>} : memref<128x128xf32, #tpu.memory_space<vmem>>, vector<1x16xf32>,
        %get3A_689 = vector.shape_cast %get3A_688 : vector<1x16xf32> to vector<16xf32>
        %add3A_690 = arith.addf %scan3A_675, %get3A_689 : vector<16xf32>
        %get3A_691 = arith.index_cast %add3A_686 : i32 to index
        %get3A_692 = arith.constant 16 : index
        %get3A_693 = tpu.vector_load %arg6[%get3A_691, %get3A_692] {strides = array<i32>} : memref<128x128xf32, #tpu.memory_space<vmem>>, vector<1x16xf32>,
        %get3A_694 = vector.shape_cast %get3A_693 : vector<1x16xf32> to vector<16xf32>
        %add3A_695 = arith.addf %scan3A_676, %get3A_694 : vector<16xf32>
        %get3A_696 = arith.index_cast %add3A_686 : i32 to index
        %get3A_697 = arith.constant 32 : index
        %get3A_698 = tpu.vector_load %arg6[%get3A_696, %get3A_697] {strides = array<i32>} : memref<128x128xf32, #tpu.memory_space<vmem>>, vector<1x16xf32>,
        %get3A_699 = vector.shape_cast %get3A_698 : vector<1x16xf32> to vector<16xf32>
        %add3A_700 = arith.addf %scan3A_677, %get3A_699 : vector<16xf32>
        %get3A_701 = arith.index_cast %add3A_686 : i32 to index
        %get3A_702 = arith.constant 48 : index
        %get3A_703 = tpu.vector_load %arg6[%get3A_701, %get3A_702] {strides = array<i32>} : memref<128x128xf32, #tpu.memory_space<vmem>>, vector<1x16xf32>,
        %get3A_704 = vector.shape_cast %get3A_703 : vector<1x16xf32> to vector<16xf32>
        %add3A_705 = arith.addf %scan3A_678, %get3A_704 : vector<16xf32>
        %get3A_706 = arith.index_cast %add3A_686 : i32 to index
        %get3A_707 = arith.constant 64 : index
        %get3A_708 = tpu.vector_load %arg6[%get3A_706, %get3A_707] {strides = array<i32>} : memref<128x128xf32, #tpu.memory_space<vmem>>, vector<1x16xf32>,
        %get3A_709 = vector.shape_cast %get3A_708 : vector<1x16xf32> to vector<16xf32>
        %add3A_710 = arith.addf %scan3A_679, %get3A_709 : vector<16xf32>
        %get3A_711 = arith.index_cast %add3A_686 : i32 to index
        %get3A_712 = arith.constant 80 : index
        %get3A_713 = tpu.vector_load %arg6[%get3A_711, %get3A_712] {strides = array<i32>} : memref<128x128xf32, #tpu.memory_space<vmem>>, vector<1x16xf32>,
        %get3A_714 = vector.shape_cast %get3A_713 : vector<1x16xf32> to vector<16xf32>
        %add3A_715 = arith.addf %scan3A_680, %get3A_714 : vector<16xf32>
        %get3A_716 = arith.index_cast %add3A_686 : i32 to index
        %get3A_717 = arith.constant 96 : index
        %get3A_718 = tpu.vector_load %arg6[%get3A_716, %get3A_717] {strides = array<i32>} : memref<128x128xf32, #tpu.memory_space<vmem>>, vector<1x16xf32>,
        %get3A_719 = vector.shape_cast %get3A_718 : vector<1x16xf32> to vector<16xf32>
        %add3A_720 = arith.addf %scan3A_681, %get3A_719 : vector<16xf32>
        %get3A_721 = arith.index_cast %add3A_686 : i32 to index
        %get3A_722 = arith.constant 112 : index
        %get3A_723 = tpu.vector_load %arg6[%get3A_721, %get3A_722] {strides = array<i32>} : memref<128x128xf32, #tpu.memory_space<vmem>>, vector<1x16xf32>,
        %get3A_724 = vector.shape_cast %get3A_723 : vector<1x16xf32> to vector<16xf32>
        %add3A_725 = arith.addf %scan3A_682, %get3A_724 : vector<16xf32>
        %add3A_726 = arith.constant 1 : i32
        %add3A_727 = arith.addi %add3A_686, %add3A_726 : i32
        %get3A_728 = arith.index_cast %add3A_727 : i32 to index
        %get3A_729 = arith.constant 0 : index
        %get3A_730 = tpu.vector_load %arg6[%get3A_728, %get3A_729] {strides = array<i32>} : memref<128x128xf32, #tpu.memory_space<vmem>>, vector<1x16xf32>,
        %get3A_731 = vector.shape_cast %get3A_730 : vector<1x16xf32> to vector<16xf32>
        %add3A_732 = arith.addf %add3A_690, %get3A_731 : vector<16xf32>
        %add3A_733 = arith.constant 1 : i32
        %add3A_734 = arith.addi %add3A_686, %add3A_733 : i32
        %get3A_735 = arith.index_cast %add3A_734 : i32 to index
        %get3A_736 = arith.constant 16 : index
        %get3A_737 = tpu.vector_load %arg6[%get3A_735, %get3A_736] {strides = array<i32>} : memref<128x128xf32, #tpu.memory_space<vmem>>, vector<1x16xf32>,
        %get3A_738 = vector.shape_cast %get3A_737 : vector<1x16xf32> to vector<16xf32>
        %add3A_739 = arith.addf %add3A_695, %get3A_738 : vector<16xf32>
        %add3A_740 = arith.constant 1 : i32
        %add3A_741 = arith.addi %add3A_686, %add3A_740 : i32
        %get3A_742 = arith.index_cast %add3A_741 : i32 to index
        %get3A_743 = arith.constant 32 : index
        %get3A_744 = tpu.vector_load %arg6[%get3A_742, %get3A_743] {strides = array<i32>} : memref<128x128xf32, #tpu.memory_space<vmem>>, vector<1x16xf32>,
        %get3A_745 = vector.shape_cast %get3A_744 : vector<1x16xf32> to vector<16xf32>
        %add3A_746 = arith.addf %add3A_700, %get3A_745 : vector<16xf32>
        %add3A_747 = arith.constant 1 : i32
        %add3A_748 = arith.addi %add3A_686, %add3A_747 : i32
        %get3A_749 = arith.index_cast %add3A_748 : i32 to index
        %get3A_750 = arith.constant 48 : index
        %get3A_751 = tpu.vector_load %arg6[%get3A_749, %get3A_750] {strides = array<i32>} : memref<128x128xf32, #tpu.memory_space<vmem>>, vector<1x16xf32>,
        %get3A_752 = vector.shape_cast %get3A_751 : vector<1x16xf32> to vector<16xf32>
        %add3A_753 = arith.addf %add3A_705, %get3A_752 : vector<16xf32>
        %add3A_754 = arith.constant 1 : i32
        %add3A_755 = arith.addi %add3A_686, %add3A_754 : i32
        %get3A_756 = arith.index_cast %add3A_755 : i32 to index
        %get3A_757 = arith.constant 64 : index
        %get3A_758 = tpu.vector_load %arg6[%get3A_756, %get3A_757] {strides = array<i32>} : memref<128x128xf32, #tpu.memory_space<vmem>>, vector<1x16xf32>,
        %get3A_759 = vector.shape_cast %get3A_758 : vector<1x16xf32> to vector<16xf32>
        %add3A_760 = arith.addf %add3A_710, %get3A_759 : vector<16xf32>
        %add3A_761 = arith.constant 1 : i32
        %add3A_762 = arith.addi %add3A_686, %add3A_761 : i32
        %get3A_763 = arith.index_cast %add3A_762 : i32 to index
        %get3A_764 = arith.constant 80 : index
        %get3A_765 = tpu.vector_load %arg6[%get3A_763, %get3A_764] {strides = array<i32>} : memref<128x128xf32, #tpu.memory_space<vmem>>, vector<1x16xf32>,
        %get3A_766 = vector.shape_cast %get3A_765 : vector<1x16xf32> to vector<16xf32>
        %add3A_767 = arith.addf %add3A_715, %get3A_766 : vector<16xf32>
        %add3A_768 = arith.constant 1 : i32
        %add3A_769 = arith.addi %add3A_686, %add3A_768 : i32
        %get3A_770 = arith.index_cast %add3A_769 : i32 to index
        %get3A_771 = arith.constant 96 : index
        %get3A_772 = tpu.vector_load %arg6[%get3A_770, %get3A_771] {strides = array<i32>} : memref<128x128xf32, #tpu.memory_space<vmem>>, vector<1x16xf32>,
        %get3A_773 = vector.shape_cast %get3A_772 : vector<1x16xf32> to vector<16xf32>
        %add3A_774 = arith.addf %add3A_720, %get3A_773 : vector<16xf32>
        %add3A_775 = arith.constant 1 : i32
        %add3A_776 = arith.addi %add3A_686, %add3A_775 : i32
        %get3A_777 = arith.index_cast %add3A_776 : i32 to index
        %get3A_778 = arith.constant 112 : index
        %get3A_779 = tpu.vector_load %arg6[%get3A_777, %get3A_778] {strides = array<i32>} : memref<128x128xf32, #tpu.memory_space<vmem>>, vector<1x16xf32>,
        %get3A_780 = vector.shape_cast %get3A_779 : vector<1x16xf32> to vector<16xf32>
        %add3A_781 = arith.addf %add3A_725, %get3A_780 : vector<16xf32>
        scf.yield %add3A_732, %add3A_739, %add3A_746, %add3A_753, %add3A_760, %add3A_767, %add3A_774, %add3A_781 : vector<16xf32>, vector<16xf32>, vector<16xf32>, vector<16xf32>, vector<16xf32>, vector<16xf32>, vector<16xf32>, vector<16xf32>
      }
      %scan3A_206 = arith.constant 16 : i32
      %add3A_207 = arith.constant 2 : i32
      %add3A_208 = arith.addi %mul3A_30, %add3A_207 : i32
      %swap3A_209 = arith.index_cast %add3A_208 : i32 to index
      %swap3A_210 = arith.constant 0 : index
      %swap3A_211 = tpu.vector_load %arg8[%swap3A_209, %swap3A_210] {strides = array<i32>} : memref<240x128xf32, #tpu.memory_space<vmem>>, vector<1x16xf32>,
      %swap3A_212 = vector.shape_cast %swap3A_211 : vector<1x16xf32> to vector<16xf32>
      %swap3A_213 = vector.shape_cast %scan3A_205#0 : vector<16xf32> to vector<1x16xf32>
      tpu.vector_store %arg8[%swap3A_209, %swap3A_210], %swap3A_213 {strides = array<i32>} : memref<240x128xf32, #tpu.memory_space<vmem>>, vector<1x16xf32>,
      %add3A_214 = arith.constant 2 : i32
      %add3A_215 = arith.addi %mul3A_30, %add3A_214 : i32
      %swap3A_216 = arith.index_cast %add3A_215 : i32 to index
      %swap3A_217 = arith.constant 16 : index
      %swap3A_218 = tpu.vector_load %arg8[%swap3A_216, %swap3A_217] {strides = array<i32>} : memref<240x128xf32, #tpu.memory_space<vmem>>, vector<1x16xf32>,
      %swap3A_219 = vector.shape_cast %swap3A_218 : vector<1x16xf32> to vector<16xf32>
      %swap3A_220 = vector.shape_cast %scan3A_205#1 : vector<16xf32> to vector<1x16xf32>
      tpu.vector_store %arg8[%swap3A_216, %swap3A_217], %swap3A_220 {strides = array<i32>} : memref<240x128xf32, #tpu.memory_space<vmem>>, vector<1x16xf32>,
      %add3A_221 = arith.constant 2 : i32
      %add3A_222 = arith.addi %mul3A_30, %add3A_221 : i32
      %swap3A_223 = arith.index_cast %add3A_222 : i32 to index
      %swap3A_224 = arith.constant 32 : index
      %swap3A_225 = tpu.vector_load %arg8[%swap3A_223, %swap3A_224] {strides = array<i32>} : memref<240x128xf32, #tpu.memory_space<vmem>>, vector<1x16xf32>,
      %swap3A_226 = vector.shape_cast %swap3A_225 : vector<1x16xf32> to vector<16xf32>
      %swap3A_227 = vector.shape_cast %scan3A_205#2 : vector<16xf32> to vector<1x16xf32>
      tpu.vector_store %arg8[%swap3A_223, %swap3A_224], %swap3A_227 {strides = array<i32>} : memref<240x128xf32, #tpu.memory_space<vmem>>, vector<1x16xf32>,
      %add3A_228 = arith.constant 2 : i32
      %add3A_229 = arith.addi %mul3A_30, %add3A_228 : i32
      %swap3A_230 = arith.index_cast %add3A_229 : i32 to index
      %swap3A_231 = arith.constant 48 : index
      %swap3A_232 = tpu.vector_load %arg8[%swap3A_230, %swap3A_231] {strides = array<i32>} : memref<240x128xf32, #tpu.memory_space<vmem>>, vector<1x16xf32>,
      %swap3A_233 = vector.shape_cast %swap3A_232 : vector<1x16xf32> to vector<16xf32>
      %swap3A_234 = vector.shape_cast %scan3A_205#3 : vector<16xf32> to vector<1x16xf32>
      tpu.vector_store %arg8[%swap3A_230, %swap3A_231], %swap3A_234 {strides = array<i32>} : memref<240x128xf32, #tpu.memory_space<vmem>>, vector<1x16xf32>,
      %add3A_235 = arith.constant 2 : i32
      %add3A_236 = arith.addi %mul3A_30, %add3A_235 : i32
      %swap3A_237 = arith.index_cast %add3A_236 : i32 to index
      %swap3A_238 = arith.constant 64 : index
      %swap3A_239 = tpu.vector_load %arg8[%swap3A_237, %swap3A_238] {strides = array<i32>} : memref<240x128xf32, #tpu.memory_space<vmem>>, vector<1x16xf32>,
      %swap3A_240 = vector.shape_cast %swap3A_239 : vector<1x16xf32> to vector<16xf32>
      %swap3A_241 = vector.shape_cast %scan3A_205#4 : vector<16xf32> to vector<1x16xf32>
      tpu.vector_store %arg8[%swap3A_237, %swap3A_238], %swap3A_241 {strides = array<i32>} : memref<240x128xf32, #tpu.memory_space<vmem>>, vector<1x16xf32>,
      %add3A_242 = arith.constant 2 : i32
      %add3A_243 = arith.addi %mul3A_30, %add3A_242 : i32
      %swap3A_244 = arith.index_cast %add3A_243 : i32 to index
      %swap3A_245 = arith.constant 80 : index
      %swap3A_246 = tpu.vector_load %arg8[%swap3A_244, %swap3A_245] {strides = array<i32>} : memref<240x128xf32, #tpu.memory_space<vmem>>, vector<1x16xf32>,
      %swap3A_247 = vector.shape_cast %swap3A_246 : vector<1x16xf32> to vector<16xf32>
      %swap3A_248 = vector.shape_cast %scan3A_205#5 : vector<16xf32> to vector<1x16xf32>
      tpu.vector_store %arg8[%swap3A_244, %swap3A_245], %swap3A_248 {strides = array<i32>} : memref<240x128xf32, #tpu.memory_space<vmem>>, vector<1x16xf32>,
      %add3A_249 = arith.constant 2 : i32
      %add3A_250 = arith.addi %mul3A_30, %add3A_249 : i32
      %swap3A_251 = arith.index_cast %add3A_250 : i32 to index
      %swap3A_252 = arith.constant 96 : index
      %swap3A_253 = tpu.vector_load %arg8[%swap3A_251, %swap3A_252] {strides = array<i32>} : memref<240x128xf32, #tpu.memory_space<vmem>>, vector<1x16xf32>,
      %swap3A_254 = vector.shape_cast %swap3A_253 : vector<1x16xf32> to vector<16xf32>
      %swap3A_255 = vector.shape_cast %scan3A_205#6 : vector<16xf32> to vector<1x16xf32>
      tpu.vector_store %arg8[%swap3A_251, %swap3A_252], %swap3A_255 {strides = array<i32>} : memref<240x128xf32, #tpu.memory_space<vmem>>, vector<1x16xf32>,
      %add3A_256 = arith.constant 2 : i32
      %add3A_257 = arith.addi %mul3A_30, %add3A_256 : i32
      %swap3A_258 = arith.index_cast %add3A_257 : i32 to index
      %swap3A_259 = arith.constant 112 : index
      %swap3A_260 = tpu.vector_load %arg8[%swap3A_258, %swap3A_259] {strides = array<i32>} : memref<240x128xf32, #tpu.memory_space<vmem>>, vector<1x16xf32>,
      %swap3A_261 = vector.shape_cast %swap3A_260 : vector<1x16xf32> to vector<16xf32>
      %swap3A_262 = vector.shape_cast %scan3A_205#7 : vector<16xf32> to vector<1x16xf32>
      tpu.vector_store %arg8[%swap3A_258, %swap3A_259], %swap3A_262 {strides = array<i32>} : memref<240x128xf32, #tpu.memory_space<vmem>>, vector<1x16xf32>,
      %broadcast_in_dim3A_263 = arith.constant 0.000000e+00 : f32
      %broadcast_in_dim3A_264 = vector.broadcast %broadcast_in_dim3A_263 : f32 to vector<16xf32>
      %broadcast_in_dim3A_265 = arith.constant 0.000000e+00 : f32
      %broadcast_in_dim3A_266 = vector.broadcast %broadcast_in_dim3A_265 : f32 to vector<16xf32>
      %broadcast_in_dim3A_267 = arith.constant 0.000000e+00 : f32
      %broadcast_in_dim3A_268 = vector.broadcast %broadcast_in_dim3A_267 : f32 to vector<16xf32>
      %broadcast_in_dim3A_269 = arith.constant 0.000000e+00 : f32
      %broadcast_in_dim3A_270 = vector.broadcast %broadcast_in_dim3A_269 : f32 to vector<16xf32>
      %broadcast_in_dim3A_271 = arith.constant 0.000000e+00 : f32
      %broadcast_in_dim3A_272 = vector.broadcast %broadcast_in_dim3A_271 : f32 to vector<16xf32>
      %broadcast_in_dim3A_273 = arith.constant 0.000000e+00 : f32
      %broadcast_in_dim3A_274 = vector.broadcast %broadcast_in_dim3A_273 : f32 to vector<16xf32>
      %broadcast_in_dim3A_275 = arith.constant 0.000000e+00 : f32
      %broadcast_in_dim3A_276 = vector.broadcast %broadcast_in_dim3A_275 : f32 to vector<16xf32>
      %broadcast_in_dim3A_277 = arith.constant 0.000000e+00 : f32
      %broadcast_in_dim3A_278 = vector.broadcast %broadcast_in_dim3A_277 : f32 to vector<16xf32>
      %scan3A_279 = arith.constant 0 : i32
      %scan3A_280 = arith.constant 16 : i32
      %scan3A_281 = arith.addi %scan3A_279, %scan3A_280 : i32
      %scan3A_282 = arith.constant 1 : i32
      %scan3A_283:8 = scf.for %scan3A_674 = %scan3A_279 to %scan3A_281 step %scan3A_282 iter_args(%scan3A_675 = %broadcast_in_dim3A_264, %scan3A_676 = %broadcast_in_dim3A_266, %scan3A_677 = %broadcast_in_dim3A_268, %scan3A_678 = %broadcast_in_dim3A_270, %scan3A_679 = %broadcast_in_dim3A_272, %scan3A_680 = %broadcast_in_dim3A_274, %scan3A_681 = %broadcast_in_dim3A_276, %scan3A_682 = %broadcast_in_dim3A_278) -> (vector<16xf32>, vector<16xf32>, vector<16xf32>, vector<16xf32>, vector<16xf32>, vector<16xf32>, vector<16xf32>, vector<16xf32>)  : i32 {
        %mul3A_683 = arith.constant 2 : i32
        %mul3A_684 = arith.muli %mul3A_683, %scan3A_674 : i32
        %add3A_685 = arith.constant 96 : i32
        %add3A_686 = arith.addi %add3A_685, %mul3A_684 : i32
        %get3A = arith.index_cast %add3A_686 : i32 to index
        %get3A_687 = arith.constant 0 : index
        %get3A_688 = tpu.vector_load %arg6[%get3A, %get3A_687] {strides = array<i32>} : memref<128x128xf32, #tpu.memory_space<vmem>>, vector<1x16xf32>,
        %get3A_689 = vector.shape_cast %get3A_688 : vector<1x16xf32> to vector<16xf32>
        %add3A_690 = arith.addf %scan3A_675, %get3A_689 : vector<16xf32>
        %get3A_691 = arith.index_cast %add3A_686 : i32 to index
        %get3A_692 = arith.constant 16 : index
        %get3A_693 = tpu.vector_load %arg6[%get3A_691, %get3A_692] {strides = array<i32>} : memref<128x128xf32, #tpu.memory_space<vmem>>, vector<1x16xf32>,
        %get3A_694 = vector.shape_cast %get3A_693 : vector<1x16xf32> to vector<16xf32>
        %add3A_695 = arith.addf %scan3A_676, %get3A_694 : vector<16xf32>
        %get3A_696 = arith.index_cast %add3A_686 : i32 to index
        %get3A_697 = arith.constant 32 : index
        %get3A_698 = tpu.vector_load %arg6[%get3A_696, %get3A_697] {strides = array<i32>} : memref<128x128xf32, #tpu.memory_space<vmem>>, vector<1x16xf32>,
        %get3A_699 = vector.shape_cast %get3A_698 : vector<1x16xf32> to vector<16xf32>
        %add3A_700 = arith.addf %scan3A_677, %get3A_699 : vector<16xf32>
        %get3A_701 = arith.index_cast %add3A_686 : i32 to index
        %get3A_702 = arith.constant 48 : index
        %get3A_703 = tpu.vector_load %arg6[%get3A_701, %get3A_702] {strides = array<i32>} : memref<128x128xf32, #tpu.memory_space<vmem>>, vector<1x16xf32>,
        %get3A_704 = vector.shape_cast %get3A_703 : vector<1x16xf32> to vector<16xf32>
        %add3A_705 = arith.addf %scan3A_678, %get3A_704 : vector<16xf32>
        %get3A_706 = arith.index_cast %add3A_686 : i32 to index
        %get3A_707 = arith.constant 64 : index
        %get3A_708 = tpu.vector_load %arg6[%get3A_706, %get3A_707] {strides = array<i32>} : memref<128x128xf32, #tpu.memory_space<vmem>>, vector<1x16xf32>,
        %get3A_709 = vector.shape_cast %get3A_708 : vector<1x16xf32> to vector<16xf32>
        %add3A_710 = arith.addf %scan3A_679, %get3A_709 : vector<16xf32>
        %get3A_711 = arith.index_cast %add3A_686 : i32 to index
        %get3A_712 = arith.constant 80 : index
        %get3A_713 = tpu.vector_load %arg6[%get3A_711, %get3A_712] {strides = array<i32>} : memref<128x128xf32, #tpu.memory_space<vmem>>, vector<1x16xf32>,
        %get3A_714 = vector.shape_cast %get3A_713 : vector<1x16xf32> to vector<16xf32>
        %add3A_715 = arith.addf %scan3A_680, %get3A_714 : vector<16xf32>
        %get3A_716 = arith.index_cast %add3A_686 : i32 to index
        %get3A_717 = arith.constant 96 : index
        %get3A_718 = tpu.vector_load %arg6[%get3A_716, %get3A_717] {strides = array<i32>} : memref<128x128xf32, #tpu.memory_space<vmem>>, vector<1x16xf32>,
        %get3A_719 = vector.shape_cast %get3A_718 : vector<1x16xf32> to vector<16xf32>
        %add3A_720 = arith.addf %scan3A_681, %get3A_719 : vector<16xf32>
        %get3A_721 = arith.index_cast %add3A_686 : i32 to index
        %get3A_722 = arith.constant 112 : index
        %get3A_723 = tpu.vector_load %arg6[%get3A_721, %get3A_722] {strides = array<i32>} : memref<128x128xf32, #tpu.memory_space<vmem>>, vector<1x16xf32>,
        %get3A_724 = vector.shape_cast %get3A_723 : vector<1x16xf32> to vector<16xf32>
        %add3A_725 = arith.addf %scan3A_682, %get3A_724 : vector<16xf32>
        %add3A_726 = arith.constant 1 : i32
        %add3A_727 = arith.addi %add3A_686, %add3A_726 : i32
        %get3A_728 = arith.index_cast %add3A_727 : i32 to index
        %get3A_729 = arith.constant 0 : index
        %get3A_730 = tpu.vector_load %arg6[%get3A_728, %get3A_729] {strides = array<i32>} : memref<128x128xf32, #tpu.memory_space<vmem>>, vector<1x16xf32>,
        %get3A_731 = vector.shape_cast %get3A_730 : vector<1x16xf32> to vector<16xf32>
        %add3A_732 = arith.addf %add3A_690, %get3A_731 : vector<16xf32>
        %add3A_733 = arith.constant 1 : i32
        %add3A_734 = arith.addi %add3A_686, %add3A_733 : i32
        %get3A_735 = arith.index_cast %add3A_734 : i32 to index
        %get3A_736 = arith.constant 16 : index
        %get3A_737 = tpu.vector_load %arg6[%get3A_735, %get3A_736] {strides = array<i32>} : memref<128x128xf32, #tpu.memory_space<vmem>>, vector<1x16xf32>,
        %get3A_738 = vector.shape_cast %get3A_737 : vector<1x16xf32> to vector<16xf32>
        %add3A_739 = arith.addf %add3A_695, %get3A_738 : vector<16xf32>
        %add3A_740 = arith.constant 1 : i32
        %add3A_741 = arith.addi %add3A_686, %add3A_740 : i32
        %get3A_742 = arith.index_cast %add3A_741 : i32 to index
        %get3A_743 = arith.constant 32 : index
        %get3A_744 = tpu.vector_load %arg6[%get3A_742, %get3A_743] {strides = array<i32>} : memref<128x128xf32, #tpu.memory_space<vmem>>, vector<1x16xf32>,
        %get3A_745 = vector.shape_cast %get3A_744 : vector<1x16xf32> to vector<16xf32>
        %add3A_746 = arith.addf %add3A_700, %get3A_745 : vector<16xf32>
        %add3A_747 = arith.constant 1 : i32
        %add3A_748 = arith.addi %add3A_686, %add3A_747 : i32
        %get3A_749 = arith.index_cast %add3A_748 : i32 to index
        %get3A_750 = arith.constant 48 : index
        %get3A_751 = tpu.vector_load %arg6[%get3A_749, %get3A_750] {strides = array<i32>} : memref<128x128xf32, #tpu.memory_space<vmem>>, vector<1x16xf32>,
        %get3A_752 = vector.shape_cast %get3A_751 : vector<1x16xf32> to vector<16xf32>
        %add3A_753 = arith.addf %add3A_705, %get3A_752 : vector<16xf32>
        %add3A_754 = arith.constant 1 : i32
        %add3A_755 = arith.addi %add3A_686, %add3A_754 : i32
        %get3A_756 = arith.index_cast %add3A_755 : i32 to index
        %get3A_757 = arith.constant 64 : index
        %get3A_758 = tpu.vector_load %arg6[%get3A_756, %get3A_757] {strides = array<i32>} : memref<128x128xf32, #tpu.memory_space<vmem>>, vector<1x16xf32>,
        %get3A_759 = vector.shape_cast %get3A_758 : vector<1x16xf32> to vector<16xf32>
        %add3A_760 = arith.addf %add3A_710, %get3A_759 : vector<16xf32>
        %add3A_761 = arith.constant 1 : i32
        %add3A_762 = arith.addi %add3A_686, %add3A_761 : i32
        %get3A_763 = arith.index_cast %add3A_762 : i32 to index
        %get3A_764 = arith.constant 80 : index
        %get3A_765 = tpu.vector_load %arg6[%get3A_763, %get3A_764] {strides = array<i32>} : memref<128x128xf32, #tpu.memory_space<vmem>>, vector<1x16xf32>,
        %get3A_766 = vector.shape_cast %get3A_765 : vector<1x16xf32> to vector<16xf32>
        %add3A_767 = arith.addf %add3A_715, %get3A_766 : vector<16xf32>
        %add3A_768 = arith.constant 1 : i32
        %add3A_769 = arith.addi %add3A_686, %add3A_768 : i32
        %get3A_770 = arith.index_cast %add3A_769 : i32 to index
        %get3A_771 = arith.constant 96 : index
        %get3A_772 = tpu.vector_load %arg6[%get3A_770, %get3A_771] {strides = array<i32>} : memref<128x128xf32, #tpu.memory_space<vmem>>, vector<1x16xf32>,
        %get3A_773 = vector.shape_cast %get3A_772 : vector<1x16xf32> to vector<16xf32>
        %add3A_774 = arith.addf %add3A_720, %get3A_773 : vector<16xf32>
        %add3A_775 = arith.constant 1 : i32
        %add3A_776 = arith.addi %add3A_686, %add3A_775 : i32
        %get3A_777 = arith.index_cast %add3A_776 : i32 to index
        %get3A_778 = arith.constant 112 : index
        %get3A_779 = tpu.vector_load %arg6[%get3A_777, %get3A_778] {strides = array<i32>} : memref<128x128xf32, #tpu.memory_space<vmem>>, vector<1x16xf32>,
        %get3A_780 = vector.shape_cast %get3A_779 : vector<1x16xf32> to vector<16xf32>
        %add3A_781 = arith.addf %add3A_725, %get3A_780 : vector<16xf32>
        scf.yield %add3A_732, %add3A_739, %add3A_746, %add3A_753, %add3A_760, %add3A_767, %add3A_774, %add3A_781 : vector<16xf32>, vector<16xf32>, vector<16xf32>, vector<16xf32>, vector<16xf32>, vector<16xf32>, vector<16xf32>, vector<16xf32>
      }
      %scan3A_284 = arith.constant 16 : i32
      %add3A_285 = arith.constant 3 : i32
      %add3A_286 = arith.addi %mul3A_30, %add3A_285 : i32
      %swap3A_287 = arith.index_cast %add3A_286 : i32 to index
      %swap3A_288 = arith.constant 0 : index
      %swap3A_289 = tpu.vector_load %arg8[%swap3A_287, %swap3A_288] {strides = array<i32>} : memref<240x128xf32, #tpu.memory_space<vmem>>, vector<1x16xf32>,
      %swap3A_290 = vector.shape_cast %swap3A_289 : vector<1x16xf32> to vector<16xf32>
      %swap3A_291 = vector.shape_cast %scan3A_283#0 : vector<16xf32> to vector<1x16xf32>
      tpu.vector_store %arg8[%swap3A_287, %swap3A_288], %swap3A_291 {strides = array<i32>} : memref<240x128xf32, #tpu.memory_space<vmem>>, vector<1x16xf32>,
      %add3A_292 = arith.constant 3 : i32
      %add3A_293 = arith.addi %mul3A_30, %add3A_292 : i32
      %swap3A_294 = arith.index_cast %add3A_293 : i32 to index
      %swap3A_295 = arith.constant 16 : index
      %swap3A_296 = tpu.vector_load %arg8[%swap3A_294, %swap3A_295] {strides = array<i32>} : memref<240x128xf32, #tpu.memory_space<vmem>>, vector<1x16xf32>,
      %swap3A_297 = vector.shape_cast %swap3A_296 : vector<1x16xf32> to vector<16xf32>
      %swap3A_298 = vector.shape_cast %scan3A_283#1 : vector<16xf32> to vector<1x16xf32>
      tpu.vector_store %arg8[%swap3A_294, %swap3A_295], %swap3A_298 {strides = array<i32>} : memref<240x128xf32, #tpu.memory_space<vmem>>, vector<1x16xf32>,
      %add3A_299 = arith.constant 3 : i32
      %add3A_300 = arith.addi %mul3A_30, %add3A_299 : i32
      %swap3A_301 = arith.index_cast %add3A_300 : i32 to index
      %swap3A_302 = arith.constant 32 : index
      %swap3A_303 = tpu.vector_load %arg8[%swap3A_301, %swap3A_302] {strides = array<i32>} : memref<240x128xf32, #tpu.memory_space<vmem>>, vector<1x16xf32>,
      %swap3A_304 = vector.shape_cast %swap3A_303 : vector<1x16xf32> to vector<16xf32>
      %swap3A_305 = vector.shape_cast %scan3A_283#2 : vector<16xf32> to vector<1x16xf32>
      tpu.vector_store %arg8[%swap3A_301, %swap3A_302], %swap3A_305 {strides = array<i32>} : memref<240x128xf32, #tpu.memory_space<vmem>>, vector<1x16xf32>,
      %add3A_306 = arith.constant 3 : i32
      %add3A_307 = arith.addi %mul3A_30, %add3A_306 : i32
      %swap3A_308 = arith.index_cast %add3A_307 : i32 to index
      %swap3A_309 = arith.constant 48 : index
      %swap3A_310 = tpu.vector_load %arg8[%swap3A_308, %swap3A_309] {strides = array<i32>} : memref<240x128xf32, #tpu.memory_space<vmem>>, vector<1x16xf32>,
      %swap3A_311 = vector.shape_cast %swap3A_310 : vector<1x16xf32> to vector<16xf32>
      %swap3A_312 = vector.shape_cast %scan3A_283#3 : vector<16xf32> to vector<1x16xf32>
      tpu.vector_store %arg8[%swap3A_308, %swap3A_309], %swap3A_312 {strides = array<i32>} : memref<240x128xf32, #tpu.memory_space<vmem>>, vector<1x16xf32>,
      %add3A_313 = arith.constant 3 : i32
      %add3A_314 = arith.addi %mul3A_30, %add3A_313 : i32
      %swap3A_315 = arith.index_cast %add3A_314 : i32 to index
      %swap3A_316 = arith.constant 64 : index
      %swap3A_317 = tpu.vector_load %arg8[%swap3A_315, %swap3A_316] {strides = array<i32>} : memref<240x128xf32, #tpu.memory_space<vmem>>, vector<1x16xf32>,
      %swap3A_318 = vector.shape_cast %swap3A_317 : vector<1x16xf32> to vector<16xf32>
      %swap3A_319 = vector.shape_cast %scan3A_283#4 : vector<16xf32> to vector<1x16xf32>
      tpu.vector_store %arg8[%swap3A_315, %swap3A_316], %swap3A_319 {strides = array<i32>} : memref<240x128xf32, #tpu.memory_space<vmem>>, vector<1x16xf32>,
      %add3A_320 = arith.constant 3 : i32
      %add3A_321 = arith.addi %mul3A_30, %add3A_320 : i32
      %swap3A_322 = arith.index_cast %add3A_321 : i32 to index
      %swap3A_323 = arith.constant 80 : index
      %swap3A_324 = tpu.vector_load %arg8[%swap3A_322, %swap3A_323] {strides = array<i32>} : memref<240x128xf32, #tpu.memory_space<vmem>>, vector<1x16xf32>,
      %swap3A_325 = vector.shape_cast %swap3A_324 : vector<1x16xf32> to vector<16xf32>
      %swap3A_326 = vector.shape_cast %scan3A_283#5 : vector<16xf32> to vector<1x16xf32>
      tpu.vector_store %arg8[%swap3A_322, %swap3A_323], %swap3A_326 {strides = array<i32>} : memref<240x128xf32, #tpu.memory_space<vmem>>, vector<1x16xf32>,
      %add3A_327 = arith.constant 3 : i32
      %add3A_328 = arith.addi %mul3A_30, %add3A_327 : i32
      %swap3A_329 = arith.index_cast %add3A_328 : i32 to index
      %swap3A_330 = arith.constant 96 : index
      %swap3A_331 = tpu.vector_load %arg8[%swap3A_329, %swap3A_330] {strides = array<i32>} : memref<240x128xf32, #tpu.memory_space<vmem>>, vector<1x16xf32>,
      %swap3A_332 = vector.shape_cast %swap3A_331 : vector<1x16xf32> to vector<16xf32>
      %swap3A_333 = vector.shape_cast %scan3A_283#6 : vector<16xf32> to vector<1x16xf32>
      tpu.vector_store %arg8[%swap3A_329, %swap3A_330], %swap3A_333 {strides = array<i32>} : memref<240x128xf32, #tpu.memory_space<vmem>>, vector<1x16xf32>,
      %add3A_334 = arith.constant 3 : i32
      %add3A_335 = arith.addi %mul3A_30, %add3A_334 : i32
      %swap3A_336 = arith.index_cast %add3A_335 : i32 to index
      %swap3A_337 = arith.constant 112 : index
      %swap3A_338 = tpu.vector_load %arg8[%swap3A_336, %swap3A_337] {strides = array<i32>} : memref<240x128xf32, #tpu.memory_space<vmem>>, vector<1x16xf32>,
      %swap3A_339 = vector.shape_cast %swap3A_338 : vector<1x16xf32> to vector<16xf32>
      %swap3A_340 = vector.shape_cast %scan3A_283#7 : vector<16xf32> to vector<1x16xf32>
      tpu.vector_store %arg8[%swap3A_336, %swap3A_337], %swap3A_340 {strides = array<i32>} : memref<240x128xf32, #tpu.memory_space<vmem>>, vector<1x16xf32>,
      %add3A_341 = arith.constant 1 : i32
      %add3A_342 = arith.addi %scan3A_21, %add3A_341 : i32
      %lt3A = arith.constant 30 : i32
      %lt3A_343 = arith.cmpi slt, %add3A_342, %lt3A : i32
      %convert_element_type3A = arith.extui %lt3A_343 : i1 to i32
      %cond3A = arith.constant 0 : i32
      %cond3A_344 = arith.cmpi ne, %convert_element_type3A, %cond3A : i32
      scf.if %cond3A_344 {
        %add3A_674 = arith.constant 2 : i32
        %add3A_675 = arith.addi %mul3A_23, %add3A_674 : i32
        %dma_start3A_676 = arith.constant 0 : i32
        %dma_start3A_677 = tpu.memref_slice %arg5[%add3A_675, %dma_start3A_676] : memref<60x128xi32, #tpu.memory_space<vmem>> -> memref<1x128xi32, #tpu.memory_space<vmem>>
        %dma_start3A_678 = tpu.memref_squeeze %dma_start3A_677 : memref<1x128xi32, #tpu.memory_space<vmem>> -> memref<128xi32, #tpu.memory_space<vmem>>
        %dma_start3A_679 = arith.constant 0 : i32
        %dma_start3A_680 = arith.constant 0 : i32
        %dma_start3A_681 = tpu.memref_slice %arg2[%dma_start3A_679, %dma_start3A_680] : memref<10000x128xf32, #tpu.memory_space<hbm>> -> memref<10000x128xf32, #tpu.memory_space<hbm>>
        tpu.enqueue_indirect_dma source(%dma_start3A_681 : memref<10000x128xf32, #tpu.memory_space<hbm>>) target(%arg6 : memref<128x128xf32, #tpu.memory_space<vmem>>) offsets(%dma_start3A_678 : memref<128xi32, #tpu.memory_space<vmem>>) semaphore(%arg9 : memref<!tpu.dma_semaphore, #tpu.memory_space<semaphore_mem>>)
      } else {
      }
      %dma_wait3A_345 = arith.constant 0 : i32
      %dma_wait3A_346 = arith.constant 0 : i32
      %dma_wait3A_347 = tpu.memref_slice %arg2[%dma_wait3A_345, %dma_wait3A_346] : memref<10000x128xf32, #tpu.memory_space<hbm>> -> memref<128x128xf32, #tpu.memory_space<hbm>>
      %dma_wait3A_348 = arith.constant 0 : i32
      %dma_wait3A_349 = arith.constant 0 : i32
      %dma_wait3A_350 = tpu.memref_slice %arg2[%dma_wait3A_348, %dma_wait3A_349] : memref<10000x128xf32, #tpu.memory_space<hbm>> -> memref<128x128xf32, #tpu.memory_space<hbm>>
      tpu.wait_dma2 semaphore(%arg10 : memref<!tpu.dma_semaphore, #tpu.memory_space<semaphore_mem>>) src(%dma_wait3A_350 : memref<128x128xf32, #tpu.memory_space<hbm>>) dst(%arg7 : memref<128x128xf32, #tpu.memory_space<vmem>>)
      %add3A_351 = arith.constant 1 : i32
      %add3A_352 = arith.addi %mul3A_23, %add3A_351 : i32
      %mul3A_353 = arith.constant 4 : i32
      %mul3A_354 = arith.muli %add3A_352, %mul3A_353 : i32
      %broadcast_in_dim3A_355 = arith.constant 0.000000e+00 : f32
      %broadcast_in_dim3A_356 = vector.broadcast %broadcast_in_dim3A_355 : f32 to vector<16xf32>
      %broadcast_in_dim3A_357 = arith.constant 0.000000e+00 : f32
      %broadcast_in_dim3A_358 = vector.broadcast %broadcast_in_dim3A_357 : f32 to vector<16xf32>
      %broadcast_in_dim3A_359 = arith.constant 0.000000e+00 : f32
      %broadcast_in_dim3A_360 = vector.broadcast %broadcast_in_dim3A_359 : f32 to vector<16xf32>
      %broadcast_in_dim3A_361 = arith.constant 0.000000e+00 : f32
      %broadcast_in_dim3A_362 = vector.broadcast %broadcast_in_dim3A_361 : f32 to vector<16xf32>
      %broadcast_in_dim3A_363 = arith.constant 0.000000e+00 : f32
      %broadcast_in_dim3A_364 = vector.broadcast %broadcast_in_dim3A_363 : f32 to vector<16xf32>
      %broadcast_in_dim3A_365 = arith.constant 0.000000e+00 : f32
      %broadcast_in_dim3A_366 = vector.broadcast %broadcast_in_dim3A_365 : f32 to vector<16xf32>
      %broadcast_in_dim3A_367 = arith.constant 0.000000e+00 : f32
      %broadcast_in_dim3A_368 = vector.broadcast %broadcast_in_dim3A_367 : f32 to vector<16xf32>
      %broadcast_in_dim3A_369 = arith.constant 0.000000e+00 : f32
      %broadcast_in_dim3A_370 = vector.broadcast %broadcast_in_dim3A_369 : f32 to vector<16xf32>
      %scan3A_371 = arith.constant 0 : i32
      %scan3A_372 = arith.constant 16 : i32
      %scan3A_373 = arith.addi %scan3A_371, %scan3A_372 : i32
      %scan3A_374 = arith.constant 1 : i32
      %scan3A_375:8 = scf.for %scan3A_674 = %scan3A_371 to %scan3A_373 step %scan3A_374 iter_args(%scan3A_675 = %broadcast_in_dim3A_356, %scan3A_676 = %broadcast_in_dim3A_358, %scan3A_677 = %broadcast_in_dim3A_360, %scan3A_678 = %broadcast_in_dim3A_362, %scan3A_679 = %broadcast_in_dim3A_364, %scan3A_680 = %broadcast_in_dim3A_366, %scan3A_681 = %broadcast_in_dim3A_368, %scan3A_682 = %broadcast_in_dim3A_370) -> (vector<16xf32>, vector<16xf32>, vector<16xf32>, vector<16xf32>, vector<16xf32>, vector<16xf32>, vector<16xf32>, vector<16xf32>)  : i32 {
        %mul3A_683 = arith.constant 2 : i32
        %mul3A_684 = arith.muli %mul3A_683, %scan3A_674 : i32
        %add3A_685 = arith.constant 0 : i32
        %add3A_686 = arith.addi %add3A_685, %mul3A_684 : i32
        %get3A = arith.index_cast %add3A_686 : i32 to index
        %get3A_687 = arith.constant 0 : index
        %get3A_688 = tpu.vector_load %arg7[%get3A, %get3A_687] {strides = array<i32>} : memref<128x128xf32, #tpu.memory_space<vmem>>, vector<1x16xf32>,
        %get3A_689 = vector.shape_cast %get3A_688 : vector<1x16xf32> to vector<16xf32>
        %add3A_690 = arith.addf %scan3A_675, %get3A_689 : vector<16xf32>
        %get3A_691 = arith.index_cast %add3A_686 : i32 to index
        %get3A_692 = arith.constant 16 : index
        %get3A_693 = tpu.vector_load %arg7[%get3A_691, %get3A_692] {strides = array<i32>} : memref<128x128xf32, #tpu.memory_space<vmem>>, vector<1x16xf32>,
        %get3A_694 = vector.shape_cast %get3A_693 : vector<1x16xf32> to vector<16xf32>
        %add3A_695 = arith.addf %scan3A_676, %get3A_694 : vector<16xf32>
        %get3A_696 = arith.index_cast %add3A_686 : i32 to index
        %get3A_697 = arith.constant 32 : index
        %get3A_698 = tpu.vector_load %arg7[%get3A_696, %get3A_697] {strides = array<i32>} : memref<128x128xf32, #tpu.memory_space<vmem>>, vector<1x16xf32>,
        %get3A_699 = vector.shape_cast %get3A_698 : vector<1x16xf32> to vector<16xf32>
        %add3A_700 = arith.addf %scan3A_677, %get3A_699 : vector<16xf32>
        %get3A_701 = arith.index_cast %add3A_686 : i32 to index
        %get3A_702 = arith.constant 48 : index
        %get3A_703 = tpu.vector_load %arg7[%get3A_701, %get3A_702] {strides = array<i32>} : memref<128x128xf32, #tpu.memory_space<vmem>>, vector<1x16xf32>,
        %get3A_704 = vector.shape_cast %get3A_703 : vector<1x16xf32> to vector<16xf32>
        %add3A_705 = arith.addf %scan3A_678, %get3A_704 : vector<16xf32>
        %get3A_706 = arith.index_cast %add3A_686 : i32 to index
        %get3A_707 = arith.constant 64 : index
        %get3A_708 = tpu.vector_load %arg7[%get3A_706, %get3A_707] {strides = array<i32>} : memref<128x128xf32, #tpu.memory_space<vmem>>, vector<1x16xf32>,
        %get3A_709 = vector.shape_cast %get3A_708 : vector<1x16xf32> to vector<16xf32>
        %add3A_710 = arith.addf %scan3A_679, %get3A_709 : vector<16xf32>
        %get3A_711 = arith.index_cast %add3A_686 : i32 to index
        %get3A_712 = arith.constant 80 : index
        %get3A_713 = tpu.vector_load %arg7[%get3A_711, %get3A_712] {strides = array<i32>} : memref<128x128xf32, #tpu.memory_space<vmem>>, vector<1x16xf32>,
        %get3A_714 = vector.shape_cast %get3A_713 : vector<1x16xf32> to vector<16xf32>
        %add3A_715 = arith.addf %scan3A_680, %get3A_714 : vector<16xf32>
        %get3A_716 = arith.index_cast %add3A_686 : i32 to index
        %get3A_717 = arith.constant 96 : index
        %get3A_718 = tpu.vector_load %arg7[%get3A_716, %get3A_717] {strides = array<i32>} : memref<128x128xf32, #tpu.memory_space<vmem>>, vector<1x16xf32>,
        %get3A_719 = vector.shape_cast %get3A_718 : vector<1x16xf32> to vector<16xf32>
        %add3A_720 = arith.addf %scan3A_681, %get3A_719 : vector<16xf32>
        %get3A_721 = arith.index_cast %add3A_686 : i32 to index
        %get3A_722 = arith.constant 112 : index
        %get3A_723 = tpu.vector_load %arg7[%get3A_721, %get3A_722] {strides = array<i32>} : memref<128x128xf32, #tpu.memory_space<vmem>>, vector<1x16xf32>,
        %get3A_724 = vector.shape_cast %get3A_723 : vector<1x16xf32> to vector<16xf32>
        %add3A_725 = arith.addf %scan3A_682, %get3A_724 : vector<16xf32>
        %add3A_726 = arith.constant 1 : i32
        %add3A_727 = arith.addi %add3A_686, %add3A_726 : i32
        %get3A_728 = arith.index_cast %add3A_727 : i32 to index
        %get3A_729 = arith.constant 0 : index
        %get3A_730 = tpu.vector_load %arg7[%get3A_728, %get3A_729] {strides = array<i32>} : memref<128x128xf32, #tpu.memory_space<vmem>>, vector<1x16xf32>,
        %get3A_731 = vector.shape_cast %get3A_730 : vector<1x16xf32> to vector<16xf32>
        %add3A_732 = arith.addf %add3A_690, %get3A_731 : vector<16xf32>
        %add3A_733 = arith.constant 1 : i32
        %add3A_734 = arith.addi %add3A_686, %add3A_733 : i32
        %get3A_735 = arith.index_cast %add3A_734 : i32 to index
        %get3A_736 = arith.constant 16 : index
        %get3A_737 = tpu.vector_load %arg7[%get3A_735, %get3A_736] {strides = array<i32>} : memref<128x128xf32, #tpu.memory_space<vmem>>, vector<1x16xf32>,
        %get3A_738 = vector.shape_cast %get3A_737 : vector<1x16xf32> to vector<16xf32>
        %add3A_739 = arith.addf %add3A_695, %get3A_738 : vector<16xf32>
        %add3A_740 = arith.constant 1 : i32
        %add3A_741 = arith.addi %add3A_686, %add3A_740 : i32
        %get3A_742 = arith.index_cast %add3A_741 : i32 to index
        %get3A_743 = arith.constant 32 : index
        %get3A_744 = tpu.vector_load %arg7[%get3A_742, %get3A_743] {strides = array<i32>} : memref<128x128xf32, #tpu.memory_space<vmem>>, vector<1x16xf32>,
        %get3A_745 = vector.shape_cast %get3A_744 : vector<1x16xf32> to vector<16xf32>
        %add3A_746 = arith.addf %add3A_700, %get3A_745 : vector<16xf32>
        %add3A_747 = arith.constant 1 : i32
        %add3A_748 = arith.addi %add3A_686, %add3A_747 : i32
        %get3A_749 = arith.index_cast %add3A_748 : i32 to index
        %get3A_750 = arith.constant 48 : index
        %get3A_751 = tpu.vector_load %arg7[%get3A_749, %get3A_750] {strides = array<i32>} : memref<128x128xf32, #tpu.memory_space<vmem>>, vector<1x16xf32>,
        %get3A_752 = vector.shape_cast %get3A_751 : vector<1x16xf32> to vector<16xf32>
        %add3A_753 = arith.addf %add3A_705, %get3A_752 : vector<16xf32>
        %add3A_754 = arith.constant 1 : i32
        %add3A_755 = arith.addi %add3A_686, %add3A_754 : i32
        %get3A_756 = arith.index_cast %add3A_755 : i32 to index
        %get3A_757 = arith.constant 64 : index
        %get3A_758 = tpu.vector_load %arg7[%get3A_756, %get3A_757] {strides = array<i32>} : memref<128x128xf32, #tpu.memory_space<vmem>>, vector<1x16xf32>,
        %get3A_759 = vector.shape_cast %get3A_758 : vector<1x16xf32> to vector<16xf32>
        %add3A_760 = arith.addf %add3A_710, %get3A_759 : vector<16xf32>
        %add3A_761 = arith.constant 1 : i32
        %add3A_762 = arith.addi %add3A_686, %add3A_761 : i32
        %get3A_763 = arith.index_cast %add3A_762 : i32 to index
        %get3A_764 = arith.constant 80 : index
        %get3A_765 = tpu.vector_load %arg7[%get3A_763, %get3A_764] {strides = array<i32>} : memref<128x128xf32, #tpu.memory_space<vmem>>, vector<1x16xf32>,
        %get3A_766 = vector.shape_cast %get3A_765 : vector<1x16xf32> to vector<16xf32>
        %add3A_767 = arith.addf %add3A_715, %get3A_766 : vector<16xf32>
        %add3A_768 = arith.constant 1 : i32
        %add3A_769 = arith.addi %add3A_686, %add3A_768 : i32
        %get3A_770 = arith.index_cast %add3A_769 : i32 to index
        %get3A_771 = arith.constant 96 : index
        %get3A_772 = tpu.vector_load %arg7[%get3A_770, %get3A_771] {strides = array<i32>} : memref<128x128xf32, #tpu.memory_space<vmem>>, vector<1x16xf32>,
        %get3A_773 = vector.shape_cast %get3A_772 : vector<1x16xf32> to vector<16xf32>
        %add3A_774 = arith.addf %add3A_720, %get3A_773 : vector<16xf32>
        %add3A_775 = arith.constant 1 : i32
        %add3A_776 = arith.addi %add3A_686, %add3A_775 : i32
        %get3A_777 = arith.index_cast %add3A_776 : i32 to index
        %get3A_778 = arith.constant 112 : index
        %get3A_779 = tpu.vector_load %arg7[%get3A_777, %get3A_778] {strides = array<i32>} : memref<128x128xf32, #tpu.memory_space<vmem>>, vector<1x16xf32>,
        %get3A_780 = vector.shape_cast %get3A_779 : vector<1x16xf32> to vector<16xf32>
        %add3A_781 = arith.addf %add3A_725, %get3A_780 : vector<16xf32>
        scf.yield %add3A_732, %add3A_739, %add3A_746, %add3A_753, %add3A_760, %add3A_767, %add3A_774, %add3A_781 : vector<16xf32>, vector<16xf32>, vector<16xf32>, vector<16xf32>, vector<16xf32>, vector<16xf32>, vector<16xf32>, vector<16xf32>
      }
      %scan3A_376 = arith.constant 16 : i32
      %add3A_377 = arith.constant 0 : i32
      %add3A_378 = arith.addi %mul3A_354, %add3A_377 : i32
      %swap3A_379 = arith.index_cast %add3A_378 : i32 to index
      %swap3A_380 = arith.constant 0 : index
      %swap3A_381 = tpu.vector_load %arg8[%swap3A_379, %swap3A_380] {strides = array<i32>} : memref<240x128xf32, #tpu.memory_space<vmem>>, vector<1x16xf32>,
      %swap3A_382 = vector.shape_cast %swap3A_381 : vector<1x16xf32> to vector<16xf32>
      %swap3A_383 = vector.shape_cast %scan3A_375#0 : vector<16xf32> to vector<1x16xf32>
      tpu.vector_store %arg8[%swap3A_379, %swap3A_380], %swap3A_383 {strides = array<i32>} : memref<240x128xf32, #tpu.memory_space<vmem>>, vector<1x16xf32>,
      %add3A_384 = arith.constant 0 : i32
      %add3A_385 = arith.addi %mul3A_354, %add3A_384 : i32
      %swap3A_386 = arith.index_cast %add3A_385 : i32 to index
      %swap3A_387 = arith.constant 16 : index
      %swap3A_388 = tpu.vector_load %arg8[%swap3A_386, %swap3A_387] {strides = array<i32>} : memref<240x128xf32, #tpu.memory_space<vmem>>, vector<1x16xf32>,
      %swap3A_389 = vector.shape_cast %swap3A_388 : vector<1x16xf32> to vector<16xf32>
      %swap3A_390 = vector.shape_cast %scan3A_375#1 : vector<16xf32> to vector<1x16xf32>
      tpu.vector_store %arg8[%swap3A_386, %swap3A_387], %swap3A_390 {strides = array<i32>} : memref<240x128xf32, #tpu.memory_space<vmem>>, vector<1x16xf32>,
      %add3A_391 = arith.constant 0 : i32
      %add3A_392 = arith.addi %mul3A_354, %add3A_391 : i32
      %swap3A_393 = arith.index_cast %add3A_392 : i32 to index
      %swap3A_394 = arith.constant 32 : index
      %swap3A_395 = tpu.vector_load %arg8[%swap3A_393, %swap3A_394] {strides = array<i32>} : memref<240x128xf32, #tpu.memory_space<vmem>>, vector<1x16xf32>,
      %swap3A_396 = vector.shape_cast %swap3A_395 : vector<1x16xf32> to vector<16xf32>
      %swap3A_397 = vector.shape_cast %scan3A_375#2 : vector<16xf32> to vector<1x16xf32>
      tpu.vector_store %arg8[%swap3A_393, %swap3A_394], %swap3A_397 {strides = array<i32>} : memref<240x128xf32, #tpu.memory_space<vmem>>, vector<1x16xf32>,
      %add3A_398 = arith.constant 0 : i32
      %add3A_399 = arith.addi %mul3A_354, %add3A_398 : i32
      %swap3A_400 = arith.index_cast %add3A_399 : i32 to index
      %swap3A_401 = arith.constant 48 : index
      %swap3A_402 = tpu.vector_load %arg8[%swap3A_400, %swap3A_401] {strides = array<i32>} : memref<240x128xf32, #tpu.memory_space<vmem>>, vector<1x16xf32>,
      %swap3A_403 = vector.shape_cast %swap3A_402 : vector<1x16xf32> to vector<16xf32>
      %swap3A_404 = vector.shape_cast %scan3A_375#3 : vector<16xf32> to vector<1x16xf32>
      tpu.vector_store %arg8[%swap3A_400, %swap3A_401], %swap3A_404 {strides = array<i32>} : memref<240x128xf32, #tpu.memory_space<vmem>>, vector<1x16xf32>,
      %add3A_405 = arith.constant 0 : i32
      %add3A_406 = arith.addi %mul3A_354, %add3A_405 : i32
      %swap3A_407 = arith.index_cast %add3A_406 : i32 to index
      %swap3A_408 = arith.constant 64 : index
      %swap3A_409 = tpu.vector_load %arg8[%swap3A_407, %swap3A_408] {strides = array<i32>} : memref<240x128xf32, #tpu.memory_space<vmem>>, vector<1x16xf32>,
      %swap3A_410 = vector.shape_cast %swap3A_409 : vector<1x16xf32> to vector<16xf32>
      %swap3A_411 = vector.shape_cast %scan3A_375#4 : vector<16xf32> to vector<1x16xf32>
      tpu.vector_store %arg8[%swap3A_407, %swap3A_408], %swap3A_411 {strides = array<i32>} : memref<240x128xf32, #tpu.memory_space<vmem>>, vector<1x16xf32>,
      %add3A_412 = arith.constant 0 : i32
      %add3A_413 = arith.addi %mul3A_354, %add3A_412 : i32
      %swap3A_414 = arith.index_cast %add3A_413 : i32 to index
      %swap3A_415 = arith.constant 80 : index
      %swap3A_416 = tpu.vector_load %arg8[%swap3A_414, %swap3A_415] {strides = array<i32>} : memref<240x128xf32, #tpu.memory_space<vmem>>, vector<1x16xf32>,
      %swap3A_417 = vector.shape_cast %swap3A_416 : vector<1x16xf32> to vector<16xf32>
      %swap3A_418 = vector.shape_cast %scan3A_375#5 : vector<16xf32> to vector<1x16xf32>
      tpu.vector_store %arg8[%swap3A_414, %swap3A_415], %swap3A_418 {strides = array<i32>} : memref<240x128xf32, #tpu.memory_space<vmem>>, vector<1x16xf32>,
      %add3A_419 = arith.constant 0 : i32
      %add3A_420 = arith.addi %mul3A_354, %add3A_419 : i32
      %swap3A_421 = arith.index_cast %add3A_420 : i32 to index
      %swap3A_422 = arith.constant 96 : index
      %swap3A_423 = tpu.vector_load %arg8[%swap3A_421, %swap3A_422] {strides = array<i32>} : memref<240x128xf32, #tpu.memory_space<vmem>>, vector<1x16xf32>,
      %swap3A_424 = vector.shape_cast %swap3A_423 : vector<1x16xf32> to vector<16xf32>
      %swap3A_425 = vector.shape_cast %scan3A_375#6 : vector<16xf32> to vector<1x16xf32>
      tpu.vector_store %arg8[%swap3A_421, %swap3A_422], %swap3A_425 {strides = array<i32>} : memref<240x128xf32, #tpu.memory_space<vmem>>, vector<1x16xf32>,
      %add3A_426 = arith.constant 0 : i32
      %add3A_427 = arith.addi %mul3A_354, %add3A_426 : i32
      %swap3A_428 = arith.index_cast %add3A_427 : i32 to index
      %swap3A_429 = arith.constant 112 : index
      %swap3A_430 = tpu.vector_load %arg8[%swap3A_428, %swap3A_429] {strides = array<i32>} : memref<240x128xf32, #tpu.memory_space<vmem>>, vector<1x16xf32>,
      %swap3A_431 = vector.shape_cast %swap3A_430 : vector<1x16xf32> to vector<16xf32>
      %swap3A_432 = vector.shape_cast %scan3A_375#7 : vector<16xf32> to vector<1x16xf32>
      tpu.vector_store %arg8[%swap3A_428, %swap3A_429], %swap3A_432 {strides = array<i32>} : memref<240x128xf32, #tpu.memory_space<vmem>>, vector<1x16xf32>,
      %broadcast_in_dim3A_433 = arith.constant 0.000000e+00 : f32
      %broadcast_in_dim3A_434 = vector.broadcast %broadcast_in_dim3A_433 : f32 to vector<16xf32>
      %broadcast_in_dim3A_435 = arith.constant 0.000000e+00 : f32
      %broadcast_in_dim3A_436 = vector.broadcast %broadcast_in_dim3A_435 : f32 to vector<16xf32>
      %broadcast_in_dim3A_437 = arith.constant 0.000000e+00 : f32
      %broadcast_in_dim3A_438 = vector.broadcast %broadcast_in_dim3A_437 : f32 to vector<16xf32>
      %broadcast_in_dim3A_439 = arith.constant 0.000000e+00 : f32
      %broadcast_in_dim3A_440 = vector.broadcast %broadcast_in_dim3A_439 : f32 to vector<16xf32>
      %broadcast_in_dim3A_441 = arith.constant 0.000000e+00 : f32
      %broadcast_in_dim3A_442 = vector.broadcast %broadcast_in_dim3A_441 : f32 to vector<16xf32>
      %broadcast_in_dim3A_443 = arith.constant 0.000000e+00 : f32
      %broadcast_in_dim3A_444 = vector.broadcast %broadcast_in_dim3A_443 : f32 to vector<16xf32>
      %broadcast_in_dim3A_445 = arith.constant 0.000000e+00 : f32
      %broadcast_in_dim3A_446 = vector.broadcast %broadcast_in_dim3A_445 : f32 to vector<16xf32>
      %broadcast_in_dim3A_447 = arith.constant 0.000000e+00 : f32
      %broadcast_in_dim3A_448 = vector.broadcast %broadcast_in_dim3A_447 : f32 to vector<16xf32>
      %scan3A_449 = arith.constant 0 : i32
      %scan3A_450 = arith.constant 16 : i32
      %scan3A_451 = arith.addi %scan3A_449, %scan3A_450 : i32
      %scan3A_452 = arith.constant 1 : i32
      %scan3A_453:8 = scf.for %scan3A_674 = %scan3A_449 to %scan3A_451 step %scan3A_452 iter_args(%scan3A_675 = %broadcast_in_dim3A_434, %scan3A_676 = %broadcast_in_dim3A_436, %scan3A_677 = %broadcast_in_dim3A_438, %scan3A_678 = %broadcast_in_dim3A_440, %scan3A_679 = %broadcast_in_dim3A_442, %scan3A_680 = %broadcast_in_dim3A_444, %scan3A_681 = %broadcast_in_dim3A_446, %scan3A_682 = %broadcast_in_dim3A_448) -> (vector<16xf32>, vector<16xf32>, vector<16xf32>, vector<16xf32>, vector<16xf32>, vector<16xf32>, vector<16xf32>, vector<16xf32>)  : i32 {
        %mul3A_683 = arith.constant 2 : i32
        %mul3A_684 = arith.muli %mul3A_683, %scan3A_674 : i32
        %add3A_685 = arith.constant 32 : i32
        %add3A_686 = arith.addi %add3A_685, %mul3A_684 : i32
        %get3A = arith.index_cast %add3A_686 : i32 to index
        %get3A_687 = arith.constant 0 : index
        %get3A_688 = tpu.vector_load %arg7[%get3A, %get3A_687] {strides = array<i32>} : memref<128x128xf32, #tpu.memory_space<vmem>>, vector<1x16xf32>,
        %get3A_689 = vector.shape_cast %get3A_688 : vector<1x16xf32> to vector<16xf32>
        %add3A_690 = arith.addf %scan3A_675, %get3A_689 : vector<16xf32>
        %get3A_691 = arith.index_cast %add3A_686 : i32 to index
        %get3A_692 = arith.constant 16 : index
        %get3A_693 = tpu.vector_load %arg7[%get3A_691, %get3A_692] {strides = array<i32>} : memref<128x128xf32, #tpu.memory_space<vmem>>, vector<1x16xf32>,
        %get3A_694 = vector.shape_cast %get3A_693 : vector<1x16xf32> to vector<16xf32>
        %add3A_695 = arith.addf %scan3A_676, %get3A_694 : vector<16xf32>
        %get3A_696 = arith.index_cast %add3A_686 : i32 to index
        %get3A_697 = arith.constant 32 : index
        %get3A_698 = tpu.vector_load %arg7[%get3A_696, %get3A_697] {strides = array<i32>} : memref<128x128xf32, #tpu.memory_space<vmem>>, vector<1x16xf32>,
        %get3A_699 = vector.shape_cast %get3A_698 : vector<1x16xf32> to vector<16xf32>
        %add3A_700 = arith.addf %scan3A_677, %get3A_699 : vector<16xf32>
        %get3A_701 = arith.index_cast %add3A_686 : i32 to index
        %get3A_702 = arith.constant 48 : index
        %get3A_703 = tpu.vector_load %arg7[%get3A_701, %get3A_702] {strides = array<i32>} : memref<128x128xf32, #tpu.memory_space<vmem>>, vector<1x16xf32>,
        %get3A_704 = vector.shape_cast %get3A_703 : vector<1x16xf32> to vector<16xf32>
        %add3A_705 = arith.addf %scan3A_678, %get3A_704 : vector<16xf32>
        %get3A_706 = arith.index_cast %add3A_686 : i32 to index
        %get3A_707 = arith.constant 64 : index
        %get3A_708 = tpu.vector_load %arg7[%get3A_706, %get3A_707] {strides = array<i32>} : memref<128x128xf32, #tpu.memory_space<vmem>>, vector<1x16xf32>,
        %get3A_709 = vector.shape_cast %get3A_708 : vector<1x16xf32> to vector<16xf32>
        %add3A_710 = arith.addf %scan3A_679, %get3A_709 : vector<16xf32>
        %get3A_711 = arith.index_cast %add3A_686 : i32 to index
        %get3A_712 = arith.constant 80 : index
        %get3A_713 = tpu.vector_load %arg7[%get3A_711, %get3A_712] {strides = array<i32>} : memref<128x128xf32, #tpu.memory_space<vmem>>, vector<1x16xf32>,
        %get3A_714 = vector.shape_cast %get3A_713 : vector<1x16xf32> to vector<16xf32>
        %add3A_715 = arith.addf %scan3A_680, %get3A_714 : vector<16xf32>
        %get3A_716 = arith.index_cast %add3A_686 : i32 to index
        %get3A_717 = arith.constant 96 : index
        %get3A_718 = tpu.vector_load %arg7[%get3A_716, %get3A_717] {strides = array<i32>} : memref<128x128xf32, #tpu.memory_space<vmem>>, vector<1x16xf32>,
        %get3A_719 = vector.shape_cast %get3A_718 : vector<1x16xf32> to vector<16xf32>
        %add3A_720 = arith.addf %scan3A_681, %get3A_719 : vector<16xf32>
        %get3A_721 = arith.index_cast %add3A_686 : i32 to index
        %get3A_722 = arith.constant 112 : index
        %get3A_723 = tpu.vector_load %arg7[%get3A_721, %get3A_722] {strides = array<i32>} : memref<128x128xf32, #tpu.memory_space<vmem>>, vector<1x16xf32>,
        %get3A_724 = vector.shape_cast %get3A_723 : vector<1x16xf32> to vector<16xf32>
        %add3A_725 = arith.addf %scan3A_682, %get3A_724 : vector<16xf32>
        %add3A_726 = arith.constant 1 : i32
        %add3A_727 = arith.addi %add3A_686, %add3A_726 : i32
        %get3A_728 = arith.index_cast %add3A_727 : i32 to index
        %get3A_729 = arith.constant 0 : index
        %get3A_730 = tpu.vector_load %arg7[%get3A_728, %get3A_729] {strides = array<i32>} : memref<128x128xf32, #tpu.memory_space<vmem>>, vector<1x16xf32>,
        %get3A_731 = vector.shape_cast %get3A_730 : vector<1x16xf32> to vector<16xf32>
        %add3A_732 = arith.addf %add3A_690, %get3A_731 : vector<16xf32>
        %add3A_733 = arith.constant 1 : i32
        %add3A_734 = arith.addi %add3A_686, %add3A_733 : i32
        %get3A_735 = arith.index_cast %add3A_734 : i32 to index
        %get3A_736 = arith.constant 16 : index
        %get3A_737 = tpu.vector_load %arg7[%get3A_735, %get3A_736] {strides = array<i32>} : memref<128x128xf32, #tpu.memory_space<vmem>>, vector<1x16xf32>,
        %get3A_738 = vector.shape_cast %get3A_737 : vector<1x16xf32> to vector<16xf32>
        %add3A_739 = arith.addf %add3A_695, %get3A_738 : vector<16xf32>
        %add3A_740 = arith.constant 1 : i32
        %add3A_741 = arith.addi %add3A_686, %add3A_740 : i32
        %get3A_742 = arith.index_cast %add3A_741 : i32 to index
        %get3A_743 = arith.constant 32 : index
        %get3A_744 = tpu.vector_load %arg7[%get3A_742, %get3A_743] {strides = array<i32>} : memref<128x128xf32, #tpu.memory_space<vmem>>, vector<1x16xf32>,
        %get3A_745 = vector.shape_cast %get3A_744 : vector<1x16xf32> to vector<16xf32>
        %add3A_746 = arith.addf %add3A_700, %get3A_745 : vector<16xf32>
        %add3A_747 = arith.constant 1 : i32
        %add3A_748 = arith.addi %add3A_686, %add3A_747 : i32
        %get3A_749 = arith.index_cast %add3A_748 : i32 to index
        %get3A_750 = arith.constant 48 : index
        %get3A_751 = tpu.vector_load %arg7[%get3A_749, %get3A_750] {strides = array<i32>} : memref<128x128xf32, #tpu.memory_space<vmem>>, vector<1x16xf32>,
        %get3A_752 = vector.shape_cast %get3A_751 : vector<1x16xf32> to vector<16xf32>
        %add3A_753 = arith.addf %add3A_705, %get3A_752 : vector<16xf32>
        %add3A_754 = arith.constant 1 : i32
        %add3A_755 = arith.addi %add3A_686, %add3A_754 : i32
        %get3A_756 = arith.index_cast %add3A_755 : i32 to index
        %get3A_757 = arith.constant 64 : index
        %get3A_758 = tpu.vector_load %arg7[%get3A_756, %get3A_757] {strides = array<i32>} : memref<128x128xf32, #tpu.memory_space<vmem>>, vector<1x16xf32>,
        %get3A_759 = vector.shape_cast %get3A_758 : vector<1x16xf32> to vector<16xf32>
        %add3A_760 = arith.addf %add3A_710, %get3A_759 : vector<16xf32>
        %add3A_761 = arith.constant 1 : i32
        %add3A_762 = arith.addi %add3A_686, %add3A_761 : i32
        %get3A_763 = arith.index_cast %add3A_762 : i32 to index
        %get3A_764 = arith.constant 80 : index
        %get3A_765 = tpu.vector_load %arg7[%get3A_763, %get3A_764] {strides = array<i32>} : memref<128x128xf32, #tpu.memory_space<vmem>>, vector<1x16xf32>,
        %get3A_766 = vector.shape_cast %get3A_765 : vector<1x16xf32> to vector<16xf32>
        %add3A_767 = arith.addf %add3A_715, %get3A_766 : vector<16xf32>
        %add3A_768 = arith.constant 1 : i32
        %add3A_769 = arith.addi %add3A_686, %add3A_768 : i32
        %get3A_770 = arith.index_cast %add3A_769 : i32 to index
        %get3A_771 = arith.constant 96 : index
        %get3A_772 = tpu.vector_load %arg7[%get3A_770, %get3A_771] {strides = array<i32>} : memref<128x128xf32, #tpu.memory_space<vmem>>, vector<1x16xf32>,
        %get3A_773 = vector.shape_cast %get3A_772 : vector<1x16xf32> to vector<16xf32>
        %add3A_774 = arith.addf %add3A_720, %get3A_773 : vector<16xf32>
        %add3A_775 = arith.constant 1 : i32
        %add3A_776 = arith.addi %add3A_686, %add3A_775 : i32
        %get3A_777 = arith.index_cast %add3A_776 : i32 to index
        %get3A_778 = arith.constant 112 : index
        %get3A_779 = tpu.vector_load %arg7[%get3A_777, %get3A_778] {strides = array<i32>} : memref<128x128xf32, #tpu.memory_space<vmem>>, vector<1x16xf32>,
        %get3A_780 = vector.shape_cast %get3A_779 : vector<1x16xf32> to vector<16xf32>
        %add3A_781 = arith.addf %add3A_725, %get3A_780 : vector<16xf32>
        scf.yield %add3A_732, %add3A_739, %add3A_746, %add3A_753, %add3A_760, %add3A_767, %add3A_774, %add3A_781 : vector<16xf32>, vector<16xf32>, vector<16xf32>, vector<16xf32>, vector<16xf32>, vector<16xf32>, vector<16xf32>, vector<16xf32>
      }
      %scan3A_454 = arith.constant 16 : i32
      %add3A_455 = arith.constant 1 : i32
      %add3A_456 = arith.addi %mul3A_354, %add3A_455 : i32
      %swap3A_457 = arith.index_cast %add3A_456 : i32 to index
      %swap3A_458 = arith.constant 0 : index
      %swap3A_459 = tpu.vector_load %arg8[%swap3A_457, %swap3A_458] {strides = array<i32>} : memref<240x128xf32, #tpu.memory_space<vmem>>, vector<1x16xf32>,
      %swap3A_460 = vector.shape_cast %swap3A_459 : vector<1x16xf32> to vector<16xf32>
      %swap3A_461 = vector.shape_cast %scan3A_453#0 : vector<16xf32> to vector<1x16xf32>
      tpu.vector_store %arg8[%swap3A_457, %swap3A_458], %swap3A_461 {strides = array<i32>} : memref<240x128xf32, #tpu.memory_space<vmem>>, vector<1x16xf32>,
      %add3A_462 = arith.constant 1 : i32
      %add3A_463 = arith.addi %mul3A_354, %add3A_462 : i32
      %swap3A_464 = arith.index_cast %add3A_463 : i32 to index
      %swap3A_465 = arith.constant 16 : index
      %swap3A_466 = tpu.vector_load %arg8[%swap3A_464, %swap3A_465] {strides = array<i32>} : memref<240x128xf32, #tpu.memory_space<vmem>>, vector<1x16xf32>,
      %swap3A_467 = vector.shape_cast %swap3A_466 : vector<1x16xf32> to vector<16xf32>
      %swap3A_468 = vector.shape_cast %scan3A_453#1 : vector<16xf32> to vector<1x16xf32>
      tpu.vector_store %arg8[%swap3A_464, %swap3A_465], %swap3A_468 {strides = array<i32>} : memref<240x128xf32, #tpu.memory_space<vmem>>, vector<1x16xf32>,
      %add3A_469 = arith.constant 1 : i32
      %add3A_470 = arith.addi %mul3A_354, %add3A_469 : i32
      %swap3A_471 = arith.index_cast %add3A_470 : i32 to index
      %swap3A_472 = arith.constant 32 : index
      %swap3A_473 = tpu.vector_load %arg8[%swap3A_471, %swap3A_472] {strides = array<i32>} : memref<240x128xf32, #tpu.memory_space<vmem>>, vector<1x16xf32>,
      %swap3A_474 = vector.shape_cast %swap3A_473 : vector<1x16xf32> to vector<16xf32>
      %swap3A_475 = vector.shape_cast %scan3A_453#2 : vector<16xf32> to vector<1x16xf32>
      tpu.vector_store %arg8[%swap3A_471, %swap3A_472], %swap3A_475 {strides = array<i32>} : memref<240x128xf32, #tpu.memory_space<vmem>>, vector<1x16xf32>,
      %add3A_476 = arith.constant 1 : i32
      %add3A_477 = arith.addi %mul3A_354, %add3A_476 : i32
      %swap3A_478 = arith.index_cast %add3A_477 : i32 to index
      %swap3A_479 = arith.constant 48 : index
      %swap3A_480 = tpu.vector_load %arg8[%swap3A_478, %swap3A_479] {strides = array<i32>} : memref<240x128xf32, #tpu.memory_space<vmem>>, vector<1x16xf32>,
      %swap3A_481 = vector.shape_cast %swap3A_480 : vector<1x16xf32> to vector<16xf32>
      %swap3A_482 = vector.shape_cast %scan3A_453#3 : vector<16xf32> to vector<1x16xf32>
      tpu.vector_store %arg8[%swap3A_478, %swap3A_479], %swap3A_482 {strides = array<i32>} : memref<240x128xf32, #tpu.memory_space<vmem>>, vector<1x16xf32>,
      %add3A_483 = arith.constant 1 : i32
      %add3A_484 = arith.addi %mul3A_354, %add3A_483 : i32
      %swap3A_485 = arith.index_cast %add3A_484 : i32 to index
      %swap3A_486 = arith.constant 64 : index
      %swap3A_487 = tpu.vector_load %arg8[%swap3A_485, %swap3A_486] {strides = array<i32>} : memref<240x128xf32, #tpu.memory_space<vmem>>, vector<1x16xf32>,
      %swap3A_488 = vector.shape_cast %swap3A_487 : vector<1x16xf32> to vector<16xf32>
      %swap3A_489 = vector.shape_cast %scan3A_453#4 : vector<16xf32> to vector<1x16xf32>
      tpu.vector_store %arg8[%swap3A_485, %swap3A_486], %swap3A_489 {strides = array<i32>} : memref<240x128xf32, #tpu.memory_space<vmem>>, vector<1x16xf32>,
      %add3A_490 = arith.constant 1 : i32
      %add3A_491 = arith.addi %mul3A_354, %add3A_490 : i32
      %swap3A_492 = arith.index_cast %add3A_491 : i32 to index
      %swap3A_493 = arith.constant 80 : index
      %swap3A_494 = tpu.vector_load %arg8[%swap3A_492, %swap3A_493] {strides = array<i32>} : memref<240x128xf32, #tpu.memory_space<vmem>>, vector<1x16xf32>,
      %swap3A_495 = vector.shape_cast %swap3A_494 : vector<1x16xf32> to vector<16xf32>
      %swap3A_496 = vector.shape_cast %scan3A_453#5 : vector<16xf32> to vector<1x16xf32>
      tpu.vector_store %arg8[%swap3A_492, %swap3A_493], %swap3A_496 {strides = array<i32>} : memref<240x128xf32, #tpu.memory_space<vmem>>, vector<1x16xf32>,
      %add3A_497 = arith.constant 1 : i32
      %add3A_498 = arith.addi %mul3A_354, %add3A_497 : i32
      %swap3A_499 = arith.index_cast %add3A_498 : i32 to index
      %swap3A_500 = arith.constant 96 : index
      %swap3A_501 = tpu.vector_load %arg8[%swap3A_499, %swap3A_500] {strides = array<i32>} : memref<240x128xf32, #tpu.memory_space<vmem>>, vector<1x16xf32>,
      %swap3A_502 = vector.shape_cast %swap3A_501 : vector<1x16xf32> to vector<16xf32>
      %swap3A_503 = vector.shape_cast %scan3A_453#6 : vector<16xf32> to vector<1x16xf32>
      tpu.vector_store %arg8[%swap3A_499, %swap3A_500], %swap3A_503 {strides = array<i32>} : memref<240x128xf32, #tpu.memory_space<vmem>>, vector<1x16xf32>,
      %add3A_504 = arith.constant 1 : i32
      %add3A_505 = arith.addi %mul3A_354, %add3A_504 : i32
      %swap3A_506 = arith.index_cast %add3A_505 : i32 to index
      %swap3A_507 = arith.constant 112 : index
      %swap3A_508 = tpu.vector_load %arg8[%swap3A_506, %swap3A_507] {strides = array<i32>} : memref<240x128xf32, #tpu.memory_space<vmem>>, vector<1x16xf32>,
      %swap3A_509 = vector.shape_cast %swap3A_508 : vector<1x16xf32> to vector<16xf32>
      %swap3A_510 = vector.shape_cast %scan3A_453#7 : vector<16xf32> to vector<1x16xf32>
      tpu.vector_store %arg8[%swap3A_506, %swap3A_507], %swap3A_510 {strides = array<i32>} : memref<240x128xf32, #tpu.memory_space<vmem>>, vector<1x16xf32>,
      %broadcast_in_dim3A_511 = arith.constant 0.000000e+00 : f32
      %broadcast_in_dim3A_512 = vector.broadcast %broadcast_in_dim3A_511 : f32 to vector<16xf32>
      %broadcast_in_dim3A_513 = arith.constant 0.000000e+00 : f32
      %broadcast_in_dim3A_514 = vector.broadcast %broadcast_in_dim3A_513 : f32 to vector<16xf32>
      %broadcast_in_dim3A_515 = arith.constant 0.000000e+00 : f32
      %broadcast_in_dim3A_516 = vector.broadcast %broadcast_in_dim3A_515 : f32 to vector<16xf32>
      %broadcast_in_dim3A_517 = arith.constant 0.000000e+00 : f32
      %broadcast_in_dim3A_518 = vector.broadcast %broadcast_in_dim3A_517 : f32 to vector<16xf32>
      %broadcast_in_dim3A_519 = arith.constant 0.000000e+00 : f32
      %broadcast_in_dim3A_520 = vector.broadcast %broadcast_in_dim3A_519 : f32 to vector<16xf32>
      %broadcast_in_dim3A_521 = arith.constant 0.000000e+00 : f32
      %broadcast_in_dim3A_522 = vector.broadcast %broadcast_in_dim3A_521 : f32 to vector<16xf32>
      %broadcast_in_dim3A_523 = arith.constant 0.000000e+00 : f32
      %broadcast_in_dim3A_524 = vector.broadcast %broadcast_in_dim3A_523 : f32 to vector<16xf32>
      %broadcast_in_dim3A_525 = arith.constant 0.000000e+00 : f32
      %broadcast_in_dim3A_526 = vector.broadcast %broadcast_in_dim3A_525 : f32 to vector<16xf32>
      %scan3A_527 = arith.constant 0 : i32
      %scan3A_528 = arith.constant 16 : i32
      %scan3A_529 = arith.addi %scan3A_527, %scan3A_528 : i32
      %scan3A_530 = arith.constant 1 : i32
      %scan3A_531:8 = scf.for %scan3A_674 = %scan3A_527 to %scan3A_529 step %scan3A_530 iter_args(%scan3A_675 = %broadcast_in_dim3A_512, %scan3A_676 = %broadcast_in_dim3A_514, %scan3A_677 = %broadcast_in_dim3A_516, %scan3A_678 = %broadcast_in_dim3A_518, %scan3A_679 = %broadcast_in_dim3A_520, %scan3A_680 = %broadcast_in_dim3A_522, %scan3A_681 = %broadcast_in_dim3A_524, %scan3A_682 = %broadcast_in_dim3A_526) -> (vector<16xf32>, vector<16xf32>, vector<16xf32>, vector<16xf32>, vector<16xf32>, vector<16xf32>, vector<16xf32>, vector<16xf32>)  : i32 {
        %mul3A_683 = arith.constant 2 : i32
        %mul3A_684 = arith.muli %mul3A_683, %scan3A_674 : i32
        %add3A_685 = arith.constant 64 : i32
        %add3A_686 = arith.addi %add3A_685, %mul3A_684 : i32
        %get3A = arith.index_cast %add3A_686 : i32 to index
        %get3A_687 = arith.constant 0 : index
        %get3A_688 = tpu.vector_load %arg7[%get3A, %get3A_687] {strides = array<i32>} : memref<128x128xf32, #tpu.memory_space<vmem>>, vector<1x16xf32>,
        %get3A_689 = vector.shape_cast %get3A_688 : vector<1x16xf32> to vector<16xf32>
        %add3A_690 = arith.addf %scan3A_675, %get3A_689 : vector<16xf32>
        %get3A_691 = arith.index_cast %add3A_686 : i32 to index
        %get3A_692 = arith.constant 16 : index
        %get3A_693 = tpu.vector_load %arg7[%get3A_691, %get3A_692] {strides = array<i32>} : memref<128x128xf32, #tpu.memory_space<vmem>>, vector<1x16xf32>,
        %get3A_694 = vector.shape_cast %get3A_693 : vector<1x16xf32> to vector<16xf32>
        %add3A_695 = arith.addf %scan3A_676, %get3A_694 : vector<16xf32>
        %get3A_696 = arith.index_cast %add3A_686 : i32 to index
        %get3A_697 = arith.constant 32 : index
        %get3A_698 = tpu.vector_load %arg7[%get3A_696, %get3A_697] {strides = array<i32>} : memref<128x128xf32, #tpu.memory_space<vmem>>, vector<1x16xf32>,
        %get3A_699 = vector.shape_cast %get3A_698 : vector<1x16xf32> to vector<16xf32>
        %add3A_700 = arith.addf %scan3A_677, %get3A_699 : vector<16xf32>
        %get3A_701 = arith.index_cast %add3A_686 : i32 to index
        %get3A_702 = arith.constant 48 : index
        %get3A_703 = tpu.vector_load %arg7[%get3A_701, %get3A_702] {strides = array<i32>} : memref<128x128xf32, #tpu.memory_space<vmem>>, vector<1x16xf32>,
        %get3A_704 = vector.shape_cast %get3A_703 : vector<1x16xf32> to vector<16xf32>
        %add3A_705 = arith.addf %scan3A_678, %get3A_704 : vector<16xf32>
        %get3A_706 = arith.index_cast %add3A_686 : i32 to index
        %get3A_707 = arith.constant 64 : index
        %get3A_708 = tpu.vector_load %arg7[%get3A_706, %get3A_707] {strides = array<i32>} : memref<128x128xf32, #tpu.memory_space<vmem>>, vector<1x16xf32>,
        %get3A_709 = vector.shape_cast %get3A_708 : vector<1x16xf32> to vector<16xf32>
        %add3A_710 = arith.addf %scan3A_679, %get3A_709 : vector<16xf32>
        %get3A_711 = arith.index_cast %add3A_686 : i32 to index
        %get3A_712 = arith.constant 80 : index
        %get3A_713 = tpu.vector_load %arg7[%get3A_711, %get3A_712] {strides = array<i32>} : memref<128x128xf32, #tpu.memory_space<vmem>>, vector<1x16xf32>,
        %get3A_714 = vector.shape_cast %get3A_713 : vector<1x16xf32> to vector<16xf32>
        %add3A_715 = arith.addf %scan3A_680, %get3A_714 : vector<16xf32>
        %get3A_716 = arith.index_cast %add3A_686 : i32 to index
        %get3A_717 = arith.constant 96 : index
        %get3A_718 = tpu.vector_load %arg7[%get3A_716, %get3A_717] {strides = array<i32>} : memref<128x128xf32, #tpu.memory_space<vmem>>, vector<1x16xf32>,
        %get3A_719 = vector.shape_cast %get3A_718 : vector<1x16xf32> to vector<16xf32>
        %add3A_720 = arith.addf %scan3A_681, %get3A_719 : vector<16xf32>
        %get3A_721 = arith.index_cast %add3A_686 : i32 to index
        %get3A_722 = arith.constant 112 : index
        %get3A_723 = tpu.vector_load %arg7[%get3A_721, %get3A_722] {strides = array<i32>} : memref<128x128xf32, #tpu.memory_space<vmem>>, vector<1x16xf32>,
        %get3A_724 = vector.shape_cast %get3A_723 : vector<1x16xf32> to vector<16xf32>
        %add3A_725 = arith.addf %scan3A_682, %get3A_724 : vector<16xf32>
        %add3A_726 = arith.constant 1 : i32
        %add3A_727 = arith.addi %add3A_686, %add3A_726 : i32
        %get3A_728 = arith.index_cast %add3A_727 : i32 to index
        %get3A_729 = arith.constant 0 : index
        %get3A_730 = tpu.vector_load %arg7[%get3A_728, %get3A_729] {strides = array<i32>} : memref<128x128xf32, #tpu.memory_space<vmem>>, vector<1x16xf32>,
        %get3A_731 = vector.shape_cast %get3A_730 : vector<1x16xf32> to vector<16xf32>
        %add3A_732 = arith.addf %add3A_690, %get3A_731 : vector<16xf32>
        %add3A_733 = arith.constant 1 : i32
        %add3A_734 = arith.addi %add3A_686, %add3A_733 : i32
        %get3A_735 = arith.index_cast %add3A_734 : i32 to index
        %get3A_736 = arith.constant 16 : index
        %get3A_737 = tpu.vector_load %arg7[%get3A_735, %get3A_736] {strides = array<i32>} : memref<128x128xf32, #tpu.memory_space<vmem>>, vector<1x16xf32>,
        %get3A_738 = vector.shape_cast %get3A_737 : vector<1x16xf32> to vector<16xf32>
        %add3A_739 = arith.addf %add3A_695, %get3A_738 : vector<16xf32>
        %add3A_740 = arith.constant 1 : i32
        %add3A_741 = arith.addi %add3A_686, %add3A_740 : i32
        %get3A_742 = arith.index_cast %add3A_741 : i32 to index
        %get3A_743 = arith.constant 32 : index
        %get3A_744 = tpu.vector_load %arg7[%get3A_742, %get3A_743] {strides = array<i32>} : memref<128x128xf32, #tpu.memory_space<vmem>>, vector<1x16xf32>,
        %get3A_745 = vector.shape_cast %get3A_744 : vector<1x16xf32> to vector<16xf32>
        %add3A_746 = arith.addf %add3A_700, %get3A_745 : vector<16xf32>
        %add3A_747 = arith.constant 1 : i32
        %add3A_748 = arith.addi %add3A_686, %add3A_747 : i32
        %get3A_749 = arith.index_cast %add3A_748 : i32 to index
        %get3A_750 = arith.constant 48 : index
        %get3A_751 = tpu.vector_load %arg7[%get3A_749, %get3A_750] {strides = array<i32>} : memref<128x128xf32, #tpu.memory_space<vmem>>, vector<1x16xf32>,
        %get3A_752 = vector.shape_cast %get3A_751 : vector<1x16xf32> to vector<16xf32>
        %add3A_753 = arith.addf %add3A_705, %get3A_752 : vector<16xf32>
        %add3A_754 = arith.constant 1 : i32
        %add3A_755 = arith.addi %add3A_686, %add3A_754 : i32
        %get3A_756 = arith.index_cast %add3A_755 : i32 to index
        %get3A_757 = arith.constant 64 : index
        %get3A_758 = tpu.vector_load %arg7[%get3A_756, %get3A_757] {strides = array<i32>} : memref<128x128xf32, #tpu.memory_space<vmem>>, vector<1x16xf32>,
        %get3A_759 = vector.shape_cast %get3A_758 : vector<1x16xf32> to vector<16xf32>
        %add3A_760 = arith.addf %add3A_710, %get3A_759 : vector<16xf32>
        %add3A_761 = arith.constant 1 : i32
        %add3A_762 = arith.addi %add3A_686, %add3A_761 : i32
        %get3A_763 = arith.index_cast %add3A_762 : i32 to index
        %get3A_764 = arith.constant 80 : index
        %get3A_765 = tpu.vector_load %arg7[%get3A_763, %get3A_764] {strides = array<i32>} : memref<128x128xf32, #tpu.memory_space<vmem>>, vector<1x16xf32>,
        %get3A_766 = vector.shape_cast %get3A_765 : vector<1x16xf32> to vector<16xf32>
        %add3A_767 = arith.addf %add3A_715, %get3A_766 : vector<16xf32>
        %add3A_768 = arith.constant 1 : i32
        %add3A_769 = arith.addi %add3A_686, %add3A_768 : i32
        %get3A_770 = arith.index_cast %add3A_769 : i32 to index
        %get3A_771 = arith.constant 96 : index
        %get3A_772 = tpu.vector_load %arg7[%get3A_770, %get3A_771] {strides = array<i32>} : memref<128x128xf32, #tpu.memory_space<vmem>>, vector<1x16xf32>,
        %get3A_773 = vector.shape_cast %get3A_772 : vector<1x16xf32> to vector<16xf32>
        %add3A_774 = arith.addf %add3A_720, %get3A_773 : vector<16xf32>
        %add3A_775 = arith.constant 1 : i32
        %add3A_776 = arith.addi %add3A_686, %add3A_775 : i32
        %get3A_777 = arith.index_cast %add3A_776 : i32 to index
        %get3A_778 = arith.constant 112 : index
        %get3A_779 = tpu.vector_load %arg7[%get3A_777, %get3A_778] {strides = array<i32>} : memref<128x128xf32, #tpu.memory_space<vmem>>, vector<1x16xf32>,
        %get3A_780 = vector.shape_cast %get3A_779 : vector<1x16xf32> to vector<16xf32>
        %add3A_781 = arith.addf %add3A_725, %get3A_780 : vector<16xf32>
        scf.yield %add3A_732, %add3A_739, %add3A_746, %add3A_753, %add3A_760, %add3A_767, %add3A_774, %add3A_781 : vector<16xf32>, vector<16xf32>, vector<16xf32>, vector<16xf32>, vector<16xf32>, vector<16xf32>, vector<16xf32>, vector<16xf32>
      }
      %scan3A_532 = arith.constant 16 : i32
      %add3A_533 = arith.constant 2 : i32
      %add3A_534 = arith.addi %mul3A_354, %add3A_533 : i32
      %swap3A_535 = arith.index_cast %add3A_534 : i32 to index
      %swap3A_536 = arith.constant 0 : index
      %swap3A_537 = tpu.vector_load %arg8[%swap3A_535, %swap3A_536] {strides = array<i32>} : memref<240x128xf32, #tpu.memory_space<vmem>>, vector<1x16xf32>,
      %swap3A_538 = vector.shape_cast %swap3A_537 : vector<1x16xf32> to vector<16xf32>
      %swap3A_539 = vector.shape_cast %scan3A_531#0 : vector<16xf32> to vector<1x16xf32>
      tpu.vector_store %arg8[%swap3A_535, %swap3A_536], %swap3A_539 {strides = array<i32>} : memref<240x128xf32, #tpu.memory_space<vmem>>, vector<1x16xf32>,
      %add3A_540 = arith.constant 2 : i32
      %add3A_541 = arith.addi %mul3A_354, %add3A_540 : i32
      %swap3A_542 = arith.index_cast %add3A_541 : i32 to index
      %swap3A_543 = arith.constant 16 : index
      %swap3A_544 = tpu.vector_load %arg8[%swap3A_542, %swap3A_543] {strides = array<i32>} : memref<240x128xf32, #tpu.memory_space<vmem>>, vector<1x16xf32>,
      %swap3A_545 = vector.shape_cast %swap3A_544 : vector<1x16xf32> to vector<16xf32>
      %swap3A_546 = vector.shape_cast %scan3A_531#1 : vector<16xf32> to vector<1x16xf32>
      tpu.vector_store %arg8[%swap3A_542, %swap3A_543], %swap3A_546 {strides = array<i32>} : memref<240x128xf32, #tpu.memory_space<vmem>>, vector<1x16xf32>,
      %add3A_547 = arith.constant 2 : i32
      %add3A_548 = arith.addi %mul3A_354, %add3A_547 : i32
      %swap3A_549 = arith.index_cast %add3A_548 : i32 to index
      %swap3A_550 = arith.constant 32 : index
      %swap3A_551 = tpu.vector_load %arg8[%swap3A_549, %swap3A_550] {strides = array<i32>} : memref<240x128xf32, #tpu.memory_space<vmem>>, vector<1x16xf32>,
      %swap3A_552 = vector.shape_cast %swap3A_551 : vector<1x16xf32> to vector<16xf32>
      %swap3A_553 = vector.shape_cast %scan3A_531#2 : vector<16xf32> to vector<1x16xf32>
      tpu.vector_store %arg8[%swap3A_549, %swap3A_550], %swap3A_553 {strides = array<i32>} : memref<240x128xf32, #tpu.memory_space<vmem>>, vector<1x16xf32>,
      %add3A_554 = arith.constant 2 : i32
      %add3A_555 = arith.addi %mul3A_354, %add3A_554 : i32
      %swap3A_556 = arith.index_cast %add3A_555 : i32 to index
      %swap3A_557 = arith.constant 48 : index
      %swap3A_558 = tpu.vector_load %arg8[%swap3A_556, %swap3A_557] {strides = array<i32>} : memref<240x128xf32, #tpu.memory_space<vmem>>, vector<1x16xf32>,
      %swap3A_559 = vector.shape_cast %swap3A_558 : vector<1x16xf32> to vector<16xf32>
      %swap3A_560 = vector.shape_cast %scan3A_531#3 : vector<16xf32> to vector<1x16xf32>
      tpu.vector_store %arg8[%swap3A_556, %swap3A_557], %swap3A_560 {strides = array<i32>} : memref<240x128xf32, #tpu.memory_space<vmem>>, vector<1x16xf32>,
      %add3A_561 = arith.constant 2 : i32
      %add3A_562 = arith.addi %mul3A_354, %add3A_561 : i32
      %swap3A_563 = arith.index_cast %add3A_562 : i32 to index
      %swap3A_564 = arith.constant 64 : index
      %swap3A_565 = tpu.vector_load %arg8[%swap3A_563, %swap3A_564] {strides = array<i32>} : memref<240x128xf32, #tpu.memory_space<vmem>>, vector<1x16xf32>,
      %swap3A_566 = vector.shape_cast %swap3A_565 : vector<1x16xf32> to vector<16xf32>
      %swap3A_567 = vector.shape_cast %scan3A_531#4 : vector<16xf32> to vector<1x16xf32>
      tpu.vector_store %arg8[%swap3A_563, %swap3A_564], %swap3A_567 {strides = array<i32>} : memref<240x128xf32, #tpu.memory_space<vmem>>, vector<1x16xf32>,
      %add3A_568 = arith.constant 2 : i32
      %add3A_569 = arith.addi %mul3A_354, %add3A_568 : i32
      %swap3A_570 = arith.index_cast %add3A_569 : i32 to index
      %swap3A_571 = arith.constant 80 : index
      %swap3A_572 = tpu.vector_load %arg8[%swap3A_570, %swap3A_571] {strides = array<i32>} : memref<240x128xf32, #tpu.memory_space<vmem>>, vector<1x16xf32>,
      %swap3A_573 = vector.shape_cast %swap3A_572 : vector<1x16xf32> to vector<16xf32>
      %swap3A_574 = vector.shape_cast %scan3A_531#5 : vector<16xf32> to vector<1x16xf32>
      tpu.vector_store %arg8[%swap3A_570, %swap3A_571], %swap3A_574 {strides = array<i32>} : memref<240x128xf32, #tpu.memory_space<vmem>>, vector<1x16xf32>,
      %add3A_575 = arith.constant 2 : i32
      %add3A_576 = arith.addi %mul3A_354, %add3A_575 : i32
      %swap3A_577 = arith.index_cast %add3A_576 : i32 to index
      %swap3A_578 = arith.constant 96 : index
      %swap3A_579 = tpu.vector_load %arg8[%swap3A_577, %swap3A_578] {strides = array<i32>} : memref<240x128xf32, #tpu.memory_space<vmem>>, vector<1x16xf32>,
      %swap3A_580 = vector.shape_cast %swap3A_579 : vector<1x16xf32> to vector<16xf32>
      %swap3A_581 = vector.shape_cast %scan3A_531#6 : vector<16xf32> to vector<1x16xf32>
      tpu.vector_store %arg8[%swap3A_577, %swap3A_578], %swap3A_581 {strides = array<i32>} : memref<240x128xf32, #tpu.memory_space<vmem>>, vector<1x16xf32>,
      %add3A_582 = arith.constant 2 : i32
      %add3A_583 = arith.addi %mul3A_354, %add3A_582 : i32
      %swap3A_584 = arith.index_cast %add3A_583 : i32 to index
      %swap3A_585 = arith.constant 112 : index
      %swap3A_586 = tpu.vector_load %arg8[%swap3A_584, %swap3A_585] {strides = array<i32>} : memref<240x128xf32, #tpu.memory_space<vmem>>, vector<1x16xf32>,
      %swap3A_587 = vector.shape_cast %swap3A_586 : vector<1x16xf32> to vector<16xf32>
      %swap3A_588 = vector.shape_cast %scan3A_531#7 : vector<16xf32> to vector<1x16xf32>
      tpu.vector_store %arg8[%swap3A_584, %swap3A_585], %swap3A_588 {strides = array<i32>} : memref<240x128xf32, #tpu.memory_space<vmem>>, vector<1x16xf32>,
      %broadcast_in_dim3A_589 = arith.constant 0.000000e+00 : f32
      %broadcast_in_dim3A_590 = vector.broadcast %broadcast_in_dim3A_589 : f32 to vector<16xf32>
      %broadcast_in_dim3A_591 = arith.constant 0.000000e+00 : f32
      %broadcast_in_dim3A_592 = vector.broadcast %broadcast_in_dim3A_591 : f32 to vector<16xf32>
      %broadcast_in_dim3A_593 = arith.constant 0.000000e+00 : f32
      %broadcast_in_dim3A_594 = vector.broadcast %broadcast_in_dim3A_593 : f32 to vector<16xf32>
      %broadcast_in_dim3A_595 = arith.constant 0.000000e+00 : f32
      %broadcast_in_dim3A_596 = vector.broadcast %broadcast_in_dim3A_595 : f32 to vector<16xf32>
      %broadcast_in_dim3A_597 = arith.constant 0.000000e+00 : f32
      %broadcast_in_dim3A_598 = vector.broadcast %broadcast_in_dim3A_597 : f32 to vector<16xf32>
      %broadcast_in_dim3A_599 = arith.constant 0.000000e+00 : f32
      %broadcast_in_dim3A_600 = vector.broadcast %broadcast_in_dim3A_599 : f32 to vector<16xf32>
      %broadcast_in_dim3A_601 = arith.constant 0.000000e+00 : f32
      %broadcast_in_dim3A_602 = vector.broadcast %broadcast_in_dim3A_601 : f32 to vector<16xf32>
      %broadcast_in_dim3A_603 = arith.constant 0.000000e+00 : f32
      %broadcast_in_dim3A_604 = vector.broadcast %broadcast_in_dim3A_603 : f32 to vector<16xf32>
      %scan3A_605 = arith.constant 0 : i32
      %scan3A_606 = arith.constant 16 : i32
      %scan3A_607 = arith.addi %scan3A_605, %scan3A_606 : i32
      %scan3A_608 = arith.constant 1 : i32
      %scan3A_609:8 = scf.for %scan3A_674 = %scan3A_605 to %scan3A_607 step %scan3A_608 iter_args(%scan3A_675 = %broadcast_in_dim3A_590, %scan3A_676 = %broadcast_in_dim3A_592, %scan3A_677 = %broadcast_in_dim3A_594, %scan3A_678 = %broadcast_in_dim3A_596, %scan3A_679 = %broadcast_in_dim3A_598, %scan3A_680 = %broadcast_in_dim3A_600, %scan3A_681 = %broadcast_in_dim3A_602, %scan3A_682 = %broadcast_in_dim3A_604) -> (vector<16xf32>, vector<16xf32>, vector<16xf32>, vector<16xf32>, vector<16xf32>, vector<16xf32>, vector<16xf32>, vector<16xf32>)  : i32 {
        %mul3A_683 = arith.constant 2 : i32
        %mul3A_684 = arith.muli %mul3A_683, %scan3A_674 : i32
        %add3A_685 = arith.constant 96 : i32
        %add3A_686 = arith.addi %add3A_685, %mul3A_684 : i32
        %get3A = arith.index_cast %add3A_686 : i32 to index
        %get3A_687 = arith.constant 0 : index
        %get3A_688 = tpu.vector_load %arg7[%get3A, %get3A_687] {strides = array<i32>} : memref<128x128xf32, #tpu.memory_space<vmem>>, vector<1x16xf32>,
        %get3A_689 = vector.shape_cast %get3A_688 : vector<1x16xf32> to vector<16xf32>
        %add3A_690 = arith.addf %scan3A_675, %get3A_689 : vector<16xf32>
        %get3A_691 = arith.index_cast %add3A_686 : i32 to index
        %get3A_692 = arith.constant 16 : index
        %get3A_693 = tpu.vector_load %arg7[%get3A_691, %get3A_692] {strides = array<i32>} : memref<128x128xf32, #tpu.memory_space<vmem>>, vector<1x16xf32>,
        %get3A_694 = vector.shape_cast %get3A_693 : vector<1x16xf32> to vector<16xf32>
        %add3A_695 = arith.addf %scan3A_676, %get3A_694 : vector<16xf32>
        %get3A_696 = arith.index_cast %add3A_686 : i32 to index
        %get3A_697 = arith.constant 32 : index
        %get3A_698 = tpu.vector_load %arg7[%get3A_696, %get3A_697] {strides = array<i32>} : memref<128x128xf32, #tpu.memory_space<vmem>>, vector<1x16xf32>,
        %get3A_699 = vector.shape_cast %get3A_698 : vector<1x16xf32> to vector<16xf32>
        %add3A_700 = arith.addf %scan3A_677, %get3A_699 : vector<16xf32>
        %get3A_701 = arith.index_cast %add3A_686 : i32 to index
        %get3A_702 = arith.constant 48 : index
        %get3A_703 = tpu.vector_load %arg7[%get3A_701, %get3A_702] {strides = array<i32>} : memref<128x128xf32, #tpu.memory_space<vmem>>, vector<1x16xf32>,
        %get3A_704 = vector.shape_cast %get3A_703 : vector<1x16xf32> to vector<16xf32>
        %add3A_705 = arith.addf %scan3A_678, %get3A_704 : vector<16xf32>
        %get3A_706 = arith.index_cast %add3A_686 : i32 to index
        %get3A_707 = arith.constant 64 : index
        %get3A_708 = tpu.vector_load %arg7[%get3A_706, %get3A_707] {strides = array<i32>} : memref<128x128xf32, #tpu.memory_space<vmem>>, vector<1x16xf32>,
        %get3A_709 = vector.shape_cast %get3A_708 : vector<1x16xf32> to vector<16xf32>
        %add3A_710 = arith.addf %scan3A_679, %get3A_709 : vector<16xf32>
        %get3A_711 = arith.index_cast %add3A_686 : i32 to index
        %get3A_712 = arith.constant 80 : index
        %get3A_713 = tpu.vector_load %arg7[%get3A_711, %get3A_712] {strides = array<i32>} : memref<128x128xf32, #tpu.memory_space<vmem>>, vector<1x16xf32>,
        %get3A_714 = vector.shape_cast %get3A_713 : vector<1x16xf32> to vector<16xf32>
        %add3A_715 = arith.addf %scan3A_680, %get3A_714 : vector<16xf32>
        %get3A_716 = arith.index_cast %add3A_686 : i32 to index
        %get3A_717 = arith.constant 96 : index
        %get3A_718 = tpu.vector_load %arg7[%get3A_716, %get3A_717] {strides = array<i32>} : memref<128x128xf32, #tpu.memory_space<vmem>>, vector<1x16xf32>,
        %get3A_719 = vector.shape_cast %get3A_718 : vector<1x16xf32> to vector<16xf32>
        %add3A_720 = arith.addf %scan3A_681, %get3A_719 : vector<16xf32>
        %get3A_721 = arith.index_cast %add3A_686 : i32 to index
        %get3A_722 = arith.constant 112 : index
        %get3A_723 = tpu.vector_load %arg7[%get3A_721, %get3A_722] {strides = array<i32>} : memref<128x128xf32, #tpu.memory_space<vmem>>, vector<1x16xf32>,
        %get3A_724 = vector.shape_cast %get3A_723 : vector<1x16xf32> to vector<16xf32>
        %add3A_725 = arith.addf %scan3A_682, %get3A_724 : vector<16xf32>
        %add3A_726 = arith.constant 1 : i32
        %add3A_727 = arith.addi %add3A_686, %add3A_726 : i32
        %get3A_728 = arith.index_cast %add3A_727 : i32 to index
        %get3A_729 = arith.constant 0 : index
        %get3A_730 = tpu.vector_load %arg7[%get3A_728, %get3A_729] {strides = array<i32>} : memref<128x128xf32, #tpu.memory_space<vmem>>, vector<1x16xf32>,
        %get3A_731 = vector.shape_cast %get3A_730 : vector<1x16xf32> to vector<16xf32>
        %add3A_732 = arith.addf %add3A_690, %get3A_731 : vector<16xf32>
        %add3A_733 = arith.constant 1 : i32
        %add3A_734 = arith.addi %add3A_686, %add3A_733 : i32
        %get3A_735 = arith.index_cast %add3A_734 : i32 to index
        %get3A_736 = arith.constant 16 : index
        %get3A_737 = tpu.vector_load %arg7[%get3A_735, %get3A_736] {strides = array<i32>} : memref<128x128xf32, #tpu.memory_space<vmem>>, vector<1x16xf32>,
        %get3A_738 = vector.shape_cast %get3A_737 : vector<1x16xf32> to vector<16xf32>
        %add3A_739 = arith.addf %add3A_695, %get3A_738 : vector<16xf32>
        %add3A_740 = arith.constant 1 : i32
        %add3A_741 = arith.addi %add3A_686, %add3A_740 : i32
        %get3A_742 = arith.index_cast %add3A_741 : i32 to index
        %get3A_743 = arith.constant 32 : index
        %get3A_744 = tpu.vector_load %arg7[%get3A_742, %get3A_743] {strides = array<i32>} : memref<128x128xf32, #tpu.memory_space<vmem>>, vector<1x16xf32>,
        %get3A_745 = vector.shape_cast %get3A_744 : vector<1x16xf32> to vector<16xf32>
        %add3A_746 = arith.addf %add3A_700, %get3A_745 : vector<16xf32>
        %add3A_747 = arith.constant 1 : i32
        %add3A_748 = arith.addi %add3A_686, %add3A_747 : i32
        %get3A_749 = arith.index_cast %add3A_748 : i32 to index
        %get3A_750 = arith.constant 48 : index
        %get3A_751 = tpu.vector_load %arg7[%get3A_749, %get3A_750] {strides = array<i32>} : memref<128x128xf32, #tpu.memory_space<vmem>>, vector<1x16xf32>,
        %get3A_752 = vector.shape_cast %get3A_751 : vector<1x16xf32> to vector<16xf32>
        %add3A_753 = arith.addf %add3A_705, %get3A_752 : vector<16xf32>
        %add3A_754 = arith.constant 1 : i32
        %add3A_755 = arith.addi %add3A_686, %add3A_754 : i32
        %get3A_756 = arith.index_cast %add3A_755 : i32 to index
        %get3A_757 = arith.constant 64 : index
        %get3A_758 = tpu.vector_load %arg7[%get3A_756, %get3A_757] {strides = array<i32>} : memref<128x128xf32, #tpu.memory_space<vmem>>, vector<1x16xf32>,
        %get3A_759 = vector.shape_cast %get3A_758 : vector<1x16xf32> to vector<16xf32>
        %add3A_760 = arith.addf %add3A_710, %get3A_759 : vector<16xf32>
        %add3A_761 = arith.constant 1 : i32
        %add3A_762 = arith.addi %add3A_686, %add3A_761 : i32
        %get3A_763 = arith.index_cast %add3A_762 : i32 to index
        %get3A_764 = arith.constant 80 : index
        %get3A_765 = tpu.vector_load %arg7[%get3A_763, %get3A_764] {strides = array<i32>} : memref<128x128xf32, #tpu.memory_space<vmem>>, vector<1x16xf32>,
        %get3A_766 = vector.shape_cast %get3A_765 : vector<1x16xf32> to vector<16xf32>
        %add3A_767 = arith.addf %add3A_715, %get3A_766 : vector<16xf32>
        %add3A_768 = arith.constant 1 : i32
        %add3A_769 = arith.addi %add3A_686, %add3A_768 : i32
        %get3A_770 = arith.index_cast %add3A_769 : i32 to index
        %get3A_771 = arith.constant 96 : index
        %get3A_772 = tpu.vector_load %arg7[%get3A_770, %get3A_771] {strides = array<i32>} : memref<128x128xf32, #tpu.memory_space<vmem>>, vector<1x16xf32>,
        %get3A_773 = vector.shape_cast %get3A_772 : vector<1x16xf32> to vector<16xf32>
        %add3A_774 = arith.addf %add3A_720, %get3A_773 : vector<16xf32>
        %add3A_775 = arith.constant 1 : i32
        %add3A_776 = arith.addi %add3A_686, %add3A_775 : i32
        %get3A_777 = arith.index_cast %add3A_776 : i32 to index
        %get3A_778 = arith.constant 112 : index
        %get3A_779 = tpu.vector_load %arg7[%get3A_777, %get3A_778] {strides = array<i32>} : memref<128x128xf32, #tpu.memory_space<vmem>>, vector<1x16xf32>,
        %get3A_780 = vector.shape_cast %get3A_779 : vector<1x16xf32> to vector<16xf32>
        %add3A_781 = arith.addf %add3A_725, %get3A_780 : vector<16xf32>
        scf.yield %add3A_732, %add3A_739, %add3A_746, %add3A_753, %add3A_760, %add3A_767, %add3A_774, %add3A_781 : vector<16xf32>, vector<16xf32>, vector<16xf32>, vector<16xf32>, vector<16xf32>, vector<16xf32>, vector<16xf32>, vector<16xf32>
      }
      %scan3A_610 = arith.constant 16 : i32
      %add3A_611 = arith.constant 3 : i32
      %add3A_612 = arith.addi %mul3A_354, %add3A_611 : i32
      %swap3A_613 = arith.index_cast %add3A_612 : i32 to index
      %swap3A_614 = arith.constant 0 : index
      %swap3A_615 = tpu.vector_load %arg8[%swap3A_613, %swap3A_614] {strides = array<i32>} : memref<240x128xf32, #tpu.memory_space<vmem>>, vector<1x16xf32>,
      %swap3A_616 = vector.shape_cast %swap3A_615 : vector<1x16xf32> to vector<16xf32>
      %swap3A_617 = vector.shape_cast %scan3A_609#0 : vector<16xf32> to vector<1x16xf32>
      tpu.vector_store %arg8[%swap3A_613, %swap3A_614], %swap3A_617 {strides = array<i32>} : memref<240x128xf32, #tpu.memory_space<vmem>>, vector<1x16xf32>,
      %add3A_618 = arith.constant 3 : i32
      %add3A_619 = arith.addi %mul3A_354, %add3A_618 : i32
      %swap3A_620 = arith.index_cast %add3A_619 : i32 to index
      %swap3A_621 = arith.constant 16 : index
      %swap3A_622 = tpu.vector_load %arg8[%swap3A_620, %swap3A_621] {strides = array<i32>} : memref<240x128xf32, #tpu.memory_space<vmem>>, vector<1x16xf32>,
      %swap3A_623 = vector.shape_cast %swap3A_622 : vector<1x16xf32> to vector<16xf32>
      %swap3A_624 = vector.shape_cast %scan3A_609#1 : vector<16xf32> to vector<1x16xf32>
      tpu.vector_store %arg8[%swap3A_620, %swap3A_621], %swap3A_624 {strides = array<i32>} : memref<240x128xf32, #tpu.memory_space<vmem>>, vector<1x16xf32>,
      %add3A_625 = arith.constant 3 : i32
      %add3A_626 = arith.addi %mul3A_354, %add3A_625 : i32
      %swap3A_627 = arith.index_cast %add3A_626 : i32 to index
      %swap3A_628 = arith.constant 32 : index
      %swap3A_629 = tpu.vector_load %arg8[%swap3A_627, %swap3A_628] {strides = array<i32>} : memref<240x128xf32, #tpu.memory_space<vmem>>, vector<1x16xf32>,
      %swap3A_630 = vector.shape_cast %swap3A_629 : vector<1x16xf32> to vector<16xf32>
      %swap3A_631 = vector.shape_cast %scan3A_609#2 : vector<16xf32> to vector<1x16xf32>
      tpu.vector_store %arg8[%swap3A_627, %swap3A_628], %swap3A_631 {strides = array<i32>} : memref<240x128xf32, #tpu.memory_space<vmem>>, vector<1x16xf32>,
      %add3A_632 = arith.constant 3 : i32
      %add3A_633 = arith.addi %mul3A_354, %add3A_632 : i32
      %swap3A_634 = arith.index_cast %add3A_633 : i32 to index
      %swap3A_635 = arith.constant 48 : index
      %swap3A_636 = tpu.vector_load %arg8[%swap3A_634, %swap3A_635] {strides = array<i32>} : memref<240x128xf32, #tpu.memory_space<vmem>>, vector<1x16xf32>,
      %swap3A_637 = vector.shape_cast %swap3A_636 : vector<1x16xf32> to vector<16xf32>
      %swap3A_638 = vector.shape_cast %scan3A_609#3 : vector<16xf32> to vector<1x16xf32>
      tpu.vector_store %arg8[%swap3A_634, %swap3A_635], %swap3A_638 {strides = array<i32>} : memref<240x128xf32, #tpu.memory_space<vmem>>, vector<1x16xf32>,
      %add3A_639 = arith.constant 3 : i32
      %add3A_640 = arith.addi %mul3A_354, %add3A_639 : i32
      %swap3A_641 = arith.index_cast %add3A_640 : i32 to index
      %swap3A_642 = arith.constant 64 : index
      %swap3A_643 = tpu.vector_load %arg8[%swap3A_641, %swap3A_642] {strides = array<i32>} : memref<240x128xf32, #tpu.memory_space<vmem>>, vector<1x16xf32>,
      %swap3A_644 = vector.shape_cast %swap3A_643 : vector<1x16xf32> to vector<16xf32>
      %swap3A_645 = vector.shape_cast %scan3A_609#4 : vector<16xf32> to vector<1x16xf32>
      tpu.vector_store %arg8[%swap3A_641, %swap3A_642], %swap3A_645 {strides = array<i32>} : memref<240x128xf32, #tpu.memory_space<vmem>>, vector<1x16xf32>,
      %add3A_646 = arith.constant 3 : i32
      %add3A_647 = arith.addi %mul3A_354, %add3A_646 : i32
      %swap3A_648 = arith.index_cast %add3A_647 : i32 to index
      %swap3A_649 = arith.constant 80 : index
      %swap3A_650 = tpu.vector_load %arg8[%swap3A_648, %swap3A_649] {strides = array<i32>} : memref<240x128xf32, #tpu.memory_space<vmem>>, vector<1x16xf32>,
      %swap3A_651 = vector.shape_cast %swap3A_650 : vector<1x16xf32> to vector<16xf32>
      %swap3A_652 = vector.shape_cast %scan3A_609#5 : vector<16xf32> to vector<1x16xf32>
      tpu.vector_store %arg8[%swap3A_648, %swap3A_649], %swap3A_652 {strides = array<i32>} : memref<240x128xf32, #tpu.memory_space<vmem>>, vector<1x16xf32>,
      %add3A_653 = arith.constant 3 : i32
      %add3A_654 = arith.addi %mul3A_354, %add3A_653 : i32
      %swap3A_655 = arith.index_cast %add3A_654 : i32 to index
      %swap3A_656 = arith.constant 96 : index
      %swap3A_657 = tpu.vector_load %arg8[%swap3A_655, %swap3A_656] {strides = array<i32>} : memref<240x128xf32, #tpu.memory_space<vmem>>, vector<1x16xf32>,
      %swap3A_658 = vector.shape_cast %swap3A_657 : vector<1x16xf32> to vector<16xf32>
      %swap3A_659 = vector.shape_cast %scan3A_609#6 : vector<16xf32> to vector<1x16xf32>
      tpu.vector_store %arg8[%swap3A_655, %swap3A_656], %swap3A_659 {strides = array<i32>} : memref<240x128xf32, #tpu.memory_space<vmem>>, vector<1x16xf32>,
      %add3A_660 = arith.constant 3 : i32
      %add3A_661 = arith.addi %mul3A_354, %add3A_660 : i32
      %swap3A_662 = arith.index_cast %add3A_661 : i32 to index
      %swap3A_663 = arith.constant 112 : index
      %swap3A_664 = tpu.vector_load %arg8[%swap3A_662, %swap3A_663] {strides = array<i32>} : memref<240x128xf32, #tpu.memory_space<vmem>>, vector<1x16xf32>,
      %swap3A_665 = vector.shape_cast %swap3A_664 : vector<1x16xf32> to vector<16xf32>
      %swap3A_666 = vector.shape_cast %scan3A_609#7 : vector<16xf32> to vector<1x16xf32>
      tpu.vector_store %arg8[%swap3A_662, %swap3A_663], %swap3A_666 {strides = array<i32>} : memref<240x128xf32, #tpu.memory_space<vmem>>, vector<1x16xf32>,
      %add3A_667 = arith.constant 1 : i32
      %add3A_668 = arith.addi %scan3A_21, %add3A_667 : i32
      %lt3A_669 = arith.constant 30 : i32
      %lt3A_670 = arith.cmpi slt, %add3A_668, %lt3A_669 : i32
      %convert_element_type3A_671 = arith.extui %lt3A_670 : i1 to i32
      %cond3A_672 = arith.constant 0 : i32
      %cond3A_673 = arith.cmpi ne, %convert_element_type3A_671, %cond3A_672 : i32
      scf.if %cond3A_673 {
        %add3A_674 = arith.constant 3 : i32
        %add3A_675 = arith.addi %mul3A_23, %add3A_674 : i32
        %dma_start3A_676 = arith.constant 0 : i32
        %dma_start3A_677 = tpu.memref_slice %arg5[%add3A_675, %dma_start3A_676] : memref<60x128xi32, #tpu.memory_space<vmem>> -> memref<1x128xi32, #tpu.memory_space<vmem>>
        %dma_start3A_678 = tpu.memref_squeeze %dma_start3A_677 : memref<1x128xi32, #tpu.memory_space<vmem>> -> memref<128xi32, #tpu.memory_space<vmem>>
        %dma_start3A_679 = arith.constant 0 : i32
        %dma_start3A_680 = arith.constant 0 : i32
        %dma_start3A_681 = tpu.memref_slice %arg2[%dma_start3A_679, %dma_start3A_680] : memref<10000x128xf32, #tpu.memory_space<hbm>> -> memref<10000x128xf32, #tpu.memory_space<hbm>>
        tpu.enqueue_indirect_dma source(%dma_start3A_681 : memref<10000x128xf32, #tpu.memory_space<hbm>>) target(%arg7 : memref<128x128xf32, #tpu.memory_space<vmem>>) offsets(%dma_start3A_678 : memref<128xi32, #tpu.memory_space<vmem>>) semaphore(%arg10 : memref<!tpu.dma_semaphore, #tpu.memory_space<semaphore_mem>>)
      } else {
      }
    }
    %scan3A_18 = arith.constant 30 : i32
    %mul3A_19 = arith.constant 240 : i32
    %mul3A_20 = arith.muli %add3A, %mul3A_19 : i32
    "tpu.region"() ({
      %run_scoped3A = tpu.sem_alloc : memref<!tpu.dma_semaphore, #tpu.memory_space<semaphore_mem>>
      %dma_start3A_21 = arith.constant 0 : i32
      %dma_start3A_22 = tpu.memref_slice %arg4[%mul3A_20, %dma_start3A_21] : memref<7680x128xf32, #tpu.memory_space<hbm>> -> memref<240x128xf32, #tpu.memory_space<hbm>>
      %dma_start3A_23 = arith.constant 0 : i32
      %dma_start3A_24 = tpu.memref_slice %arg4[%mul3A_20, %dma_start3A_23] : memref<7680x128xf32, #tpu.memory_space<hbm>> -> memref<240x128xf32, #tpu.memory_space<hbm>>
      tpu.enqueue_dma source(%arg8 : memref<240x128xf32, #tpu.memory_space<vmem>>) target(%dma_start3A_24 : memref<240x128xf32, #tpu.memory_space<hbm>>) target_semaphore(%run_scoped3A : memref<!tpu.dma_semaphore, #tpu.memory_space<semaphore_mem>>)
      %dma_wait3A = arith.constant 0 : i32
      %dma_wait3A_25 = tpu.memref_slice %arg4[%mul3A_20, %dma_wait3A] : memref<7680x128xf32, #tpu.memory_space<hbm>> -> memref<240x128xf32, #tpu.memory_space<hbm>>
      %dma_wait3A_26 = arith.constant 0 : i32
      %dma_wait3A_27 = tpu.memref_slice %arg4[%mul3A_20, %dma_wait3A_26] : memref<7680x128xf32, #tpu.memory_space<hbm>> -> memref<240x128xf32, #tpu.memory_space<hbm>>
      tpu.wait_dma2 semaphore(%run_scoped3A : memref<!tpu.dma_semaphore, #tpu.memory_space<semaphore_mem>>) src(%arg8 : memref<240x128xf32, #tpu.memory_space<vmem>>) dst(%dma_wait3A_27 : memref<240x128xf32, #tpu.memory_space<hbm>>)
      tpu.yield
    }) : () -> ()
    return
  }
}

module attributes {stable_mosaic.version = 14 : i64} {
  func.func @_tc_gather_body(%arg0: i32, %arg1: memref<10000x128xf32, #tpu.memory_space<vmem>>, %arg2: memref<80x128xf32, #tpu.memory_space<vmem>>, %arg3: memref<80x32xi32, #tpu.memory_space<smem>>, %arg4: memref<1x1xf32, #tpu.memory_space<smem>>, %arg5: memref<128x128xf32, #tpu.memory_space<vmem>>, %arg6: memref<1x128xf32, #tpu.memory_space<vmem>>, %arg7: memref<80x128xf32, #tpu.memory_space<vmem>>, %arg8: memref<80x128xf32, #tpu.memory_space<vmem>>) attributes {dimension_semantics = [#tpu.dimension_semantics<arbitrary>], iteration_bounds = array<i64: 29>, scalar_prefetch = 0 : i64, scratch_operands = 1 : i64, tpu.core_type = #tpu.core_type<tc>, window_params = [{pipeline_mode = #tpu.pipeline_mode<synchronous>, transform_indices = @transform_0, window_bounds = array<i64: 10000, 128>}, {transform_indices = @transform_1, window_bounds = array<i64: 80, 128>}, {transform_indices = @transform_2, window_bounds = array<i64: 80, 32>}, {transform_indices = @transform_3, window_bounds = array<i64: 1, 1>}, {pipeline_mode = #tpu.pipeline_mode<synchronous>, transform_indices = @transform_4, window_bounds = array<i64: 128, 128>}, {pipeline_mode = #tpu.pipeline_mode<synchronous>, transform_indices = @transform_5, window_bounds = array<i64: 1, 128>}, {transform_indices = @transform_6, window_bounds = array<i64: 80, 128>}]} {
    %scan3A = arith.constant 0 : i32
    %scan3A_0 = arith.constant 80 : i32
    %scan3A_1 = arith.addi %scan3A, %scan3A_0 : i32
    %scan3A_2 = arith.constant 1 : i32
    scf.for %scan3A_26 = %scan3A to %scan3A_1 step %scan3A_2  : i32 {
      %get3A_27 = arith.index_cast %scan3A_26 : i32 to index
      %get3A_28 = arith.constant 0 : index
      %get3A_29 = memref.load %arg3[%get3A_27, %get3A_28] : memref<80x32xi32, #tpu.memory_space<smem>>
      %get3A_30 = arith.index_cast %get3A_29 : i32 to index
      %get3A_31 = arith.constant 0 : index
      %get3A_32 = vector.load %arg1[%get3A_30, %get3A_31] : memref<10000x128xf32, #tpu.memory_space<vmem>>, vector<1x128xf32>
      %get3A_33 = arith.index_cast %scan3A_26 : i32 to index
      %get3A_34 = arith.constant 1 : index
      %get3A_35 = memref.load %arg3[%get3A_33, %get3A_34] : memref<80x32xi32, #tpu.memory_space<smem>>
      %get3A_36 = arith.index_cast %get3A_35 : i32 to index
      %get3A_37 = arith.constant 0 : index
      %get3A_38 = vector.load %arg1[%get3A_36, %get3A_37] : memref<10000x128xf32, #tpu.memory_space<vmem>>, vector<1x128xf32>
      %get3A_39 = arith.index_cast %scan3A_26 : i32 to index
      %get3A_40 = arith.constant 2 : index
      %get3A_41 = memref.load %arg3[%get3A_39, %get3A_40] : memref<80x32xi32, #tpu.memory_space<smem>>
      %get3A_42 = arith.index_cast %get3A_41 : i32 to index
      %get3A_43 = arith.constant 0 : index
      %get3A_44 = vector.load %arg1[%get3A_42, %get3A_43] : memref<10000x128xf32, #tpu.memory_space<vmem>>, vector<1x128xf32>
      %get3A_45 = arith.index_cast %scan3A_26 : i32 to index
      %get3A_46 = arith.constant 3 : index
      %get3A_47 = memref.load %arg3[%get3A_45, %get3A_46] : memref<80x32xi32, #tpu.memory_space<smem>>
      %get3A_48 = arith.index_cast %get3A_47 : i32 to index
      %get3A_49 = arith.constant 0 : index
      %get3A_50 = vector.load %arg1[%get3A_48, %get3A_49] : memref<10000x128xf32, #tpu.memory_space<vmem>>, vector<1x128xf32>
      %get3A_51 = arith.index_cast %scan3A_26 : i32 to index
      %get3A_52 = arith.constant 4 : index
      %get3A_53 = memref.load %arg3[%get3A_51, %get3A_52] : memref<80x32xi32, #tpu.memory_space<smem>>
      %get3A_54 = arith.index_cast %get3A_53 : i32 to index
      %get3A_55 = arith.constant 0 : index
      %get3A_56 = vector.load %arg1[%get3A_54, %get3A_55] : memref<10000x128xf32, #tpu.memory_space<vmem>>, vector<1x128xf32>
      %add3A_57 = arith.addf %get3A_32, %get3A_56 : vector<1x128xf32>
      %get3A_58 = arith.index_cast %scan3A_26 : i32 to index
      %get3A_59 = arith.constant 5 : index
      %get3A_60 = memref.load %arg3[%get3A_58, %get3A_59] : memref<80x32xi32, #tpu.memory_space<smem>>
      %get3A_61 = arith.index_cast %get3A_60 : i32 to index
      %get3A_62 = arith.constant 0 : index
      %get3A_63 = vector.load %arg1[%get3A_61, %get3A_62] : memref<10000x128xf32, #tpu.memory_space<vmem>>, vector<1x128xf32>
      %add3A_64 = arith.addf %get3A_38, %get3A_63 : vector<1x128xf32>
      %get3A_65 = arith.index_cast %scan3A_26 : i32 to index
      %get3A_66 = arith.constant 6 : index
      %get3A_67 = memref.load %arg3[%get3A_65, %get3A_66] : memref<80x32xi32, #tpu.memory_space<smem>>
      %get3A_68 = arith.index_cast %get3A_67 : i32 to index
      %get3A_69 = arith.constant 0 : index
      %get3A_70 = vector.load %arg1[%get3A_68, %get3A_69] : memref<10000x128xf32, #tpu.memory_space<vmem>>, vector<1x128xf32>
      %add3A_71 = arith.addf %get3A_44, %get3A_70 : vector<1x128xf32>
      %get3A_72 = arith.index_cast %scan3A_26 : i32 to index
      %get3A_73 = arith.constant 7 : index
      %get3A_74 = memref.load %arg3[%get3A_72, %get3A_73] : memref<80x32xi32, #tpu.memory_space<smem>>
      %get3A_75 = arith.index_cast %get3A_74 : i32 to index
      %get3A_76 = arith.constant 0 : index
      %get3A_77 = vector.load %arg1[%get3A_75, %get3A_76] : memref<10000x128xf32, #tpu.memory_space<vmem>>, vector<1x128xf32>
      %add3A_78 = arith.addf %get3A_50, %get3A_77 : vector<1x128xf32>
      %get3A_79 = arith.index_cast %scan3A_26 : i32 to index
      %get3A_80 = arith.constant 8 : index
      %get3A_81 = memref.load %arg3[%get3A_79, %get3A_80] : memref<80x32xi32, #tpu.memory_space<smem>>
      %get3A_82 = arith.index_cast %get3A_81 : i32 to index
      %get3A_83 = arith.constant 0 : index
      %get3A_84 = vector.load %arg1[%get3A_82, %get3A_83] : memref<10000x128xf32, #tpu.memory_space<vmem>>, vector<1x128xf32>
      %add3A_85 = arith.addf %add3A_57, %get3A_84 : vector<1x128xf32>
      %get3A_86 = arith.index_cast %scan3A_26 : i32 to index
      %get3A_87 = arith.constant 9 : index
      %get3A_88 = memref.load %arg3[%get3A_86, %get3A_87] : memref<80x32xi32, #tpu.memory_space<smem>>
      %get3A_89 = arith.index_cast %get3A_88 : i32 to index
      %get3A_90 = arith.constant 0 : index
      %get3A_91 = vector.load %arg1[%get3A_89, %get3A_90] : memref<10000x128xf32, #tpu.memory_space<vmem>>, vector<1x128xf32>
      %add3A_92 = arith.addf %add3A_64, %get3A_91 : vector<1x128xf32>
      %get3A_93 = arith.index_cast %scan3A_26 : i32 to index
      %get3A_94 = arith.constant 10 : index
      %get3A_95 = memref.load %arg3[%get3A_93, %get3A_94] : memref<80x32xi32, #tpu.memory_space<smem>>
      %get3A_96 = arith.index_cast %get3A_95 : i32 to index
      %get3A_97 = arith.constant 0 : index
      %get3A_98 = vector.load %arg1[%get3A_96, %get3A_97] : memref<10000x128xf32, #tpu.memory_space<vmem>>, vector<1x128xf32>
      %add3A_99 = arith.addf %add3A_71, %get3A_98 : vector<1x128xf32>
      %get3A_100 = arith.index_cast %scan3A_26 : i32 to index
      %get3A_101 = arith.constant 11 : index
      %get3A_102 = memref.load %arg3[%get3A_100, %get3A_101] : memref<80x32xi32, #tpu.memory_space<smem>>
      %get3A_103 = arith.index_cast %get3A_102 : i32 to index
      %get3A_104 = arith.constant 0 : index
      %get3A_105 = vector.load %arg1[%get3A_103, %get3A_104] : memref<10000x128xf32, #tpu.memory_space<vmem>>, vector<1x128xf32>
      %add3A_106 = arith.addf %add3A_78, %get3A_105 : vector<1x128xf32>
      %get3A_107 = arith.index_cast %scan3A_26 : i32 to index
      %get3A_108 = arith.constant 12 : index
      %get3A_109 = memref.load %arg3[%get3A_107, %get3A_108] : memref<80x32xi32, #tpu.memory_space<smem>>
      %get3A_110 = arith.index_cast %get3A_109 : i32 to index
      %get3A_111 = arith.constant 0 : index
      %get3A_112 = vector.load %arg1[%get3A_110, %get3A_111] : memref<10000x128xf32, #tpu.memory_space<vmem>>, vector<1x128xf32>
      %add3A_113 = arith.addf %add3A_85, %get3A_112 : vector<1x128xf32>
      %get3A_114 = arith.index_cast %scan3A_26 : i32 to index
      %get3A_115 = arith.constant 13 : index
      %get3A_116 = memref.load %arg3[%get3A_114, %get3A_115] : memref<80x32xi32, #tpu.memory_space<smem>>
      %get3A_117 = arith.index_cast %get3A_116 : i32 to index
      %get3A_118 = arith.constant 0 : index
      %get3A_119 = vector.load %arg1[%get3A_117, %get3A_118] : memref<10000x128xf32, #tpu.memory_space<vmem>>, vector<1x128xf32>
      %add3A_120 = arith.addf %add3A_92, %get3A_119 : vector<1x128xf32>
      %get3A_121 = arith.index_cast %scan3A_26 : i32 to index
      %get3A_122 = arith.constant 14 : index
      %get3A_123 = memref.load %arg3[%get3A_121, %get3A_122] : memref<80x32xi32, #tpu.memory_space<smem>>
      %get3A_124 = arith.index_cast %get3A_123 : i32 to index
      %get3A_125 = arith.constant 0 : index
      %get3A_126 = vector.load %arg1[%get3A_124, %get3A_125] : memref<10000x128xf32, #tpu.memory_space<vmem>>, vector<1x128xf32>
      %add3A_127 = arith.addf %add3A_99, %get3A_126 : vector<1x128xf32>
      %get3A_128 = arith.index_cast %scan3A_26 : i32 to index
      %get3A_129 = arith.constant 15 : index
      %get3A_130 = memref.load %arg3[%get3A_128, %get3A_129] : memref<80x32xi32, #tpu.memory_space<smem>>
      %get3A_131 = arith.index_cast %get3A_130 : i32 to index
      %get3A_132 = arith.constant 0 : index
      %get3A_133 = vector.load %arg1[%get3A_131, %get3A_132] : memref<10000x128xf32, #tpu.memory_space<vmem>>, vector<1x128xf32>
      %add3A_134 = arith.addf %add3A_106, %get3A_133 : vector<1x128xf32>
      %get3A_135 = arith.index_cast %scan3A_26 : i32 to index
      %get3A_136 = arith.constant 16 : index
      %get3A_137 = memref.load %arg3[%get3A_135, %get3A_136] : memref<80x32xi32, #tpu.memory_space<smem>>
      %get3A_138 = arith.index_cast %get3A_137 : i32 to index
      %get3A_139 = arith.constant 0 : index
      %get3A_140 = vector.load %arg1[%get3A_138, %get3A_139] : memref<10000x128xf32, #tpu.memory_space<vmem>>, vector<1x128xf32>
      %add3A_141 = arith.addf %add3A_113, %get3A_140 : vector<1x128xf32>
      %get3A_142 = arith.index_cast %scan3A_26 : i32 to index
      %get3A_143 = arith.constant 17 : index
      %get3A_144 = memref.load %arg3[%get3A_142, %get3A_143] : memref<80x32xi32, #tpu.memory_space<smem>>
      %get3A_145 = arith.index_cast %get3A_144 : i32 to index
      %get3A_146 = arith.constant 0 : index
      %get3A_147 = vector.load %arg1[%get3A_145, %get3A_146] : memref<10000x128xf32, #tpu.memory_space<vmem>>, vector<1x128xf32>
      %add3A_148 = arith.addf %add3A_120, %get3A_147 : vector<1x128xf32>
      %get3A_149 = arith.index_cast %scan3A_26 : i32 to index
      %get3A_150 = arith.constant 18 : index
      %get3A_151 = memref.load %arg3[%get3A_149, %get3A_150] : memref<80x32xi32, #tpu.memory_space<smem>>
      %get3A_152 = arith.index_cast %get3A_151 : i32 to index
      %get3A_153 = arith.constant 0 : index
      %get3A_154 = vector.load %arg1[%get3A_152, %get3A_153] : memref<10000x128xf32, #tpu.memory_space<vmem>>, vector<1x128xf32>
      %add3A_155 = arith.addf %add3A_127, %get3A_154 : vector<1x128xf32>
      %get3A_156 = arith.index_cast %scan3A_26 : i32 to index
      %get3A_157 = arith.constant 19 : index
      %get3A_158 = memref.load %arg3[%get3A_156, %get3A_157] : memref<80x32xi32, #tpu.memory_space<smem>>
      %get3A_159 = arith.index_cast %get3A_158 : i32 to index
      %get3A_160 = arith.constant 0 : index
      %get3A_161 = vector.load %arg1[%get3A_159, %get3A_160] : memref<10000x128xf32, #tpu.memory_space<vmem>>, vector<1x128xf32>
      %add3A_162 = arith.addf %add3A_134, %get3A_161 : vector<1x128xf32>
      %get3A_163 = arith.index_cast %scan3A_26 : i32 to index
      %get3A_164 = arith.constant 20 : index
      %get3A_165 = memref.load %arg3[%get3A_163, %get3A_164] : memref<80x32xi32, #tpu.memory_space<smem>>
      %get3A_166 = arith.index_cast %get3A_165 : i32 to index
      %get3A_167 = arith.constant 0 : index
      %get3A_168 = vector.load %arg1[%get3A_166, %get3A_167] : memref<10000x128xf32, #tpu.memory_space<vmem>>, vector<1x128xf32>
      %add3A_169 = arith.addf %add3A_141, %get3A_168 : vector<1x128xf32>
      %get3A_170 = arith.index_cast %scan3A_26 : i32 to index
      %get3A_171 = arith.constant 21 : index
      %get3A_172 = memref.load %arg3[%get3A_170, %get3A_171] : memref<80x32xi32, #tpu.memory_space<smem>>
      %get3A_173 = arith.index_cast %get3A_172 : i32 to index
      %get3A_174 = arith.constant 0 : index
      %get3A_175 = vector.load %arg1[%get3A_173, %get3A_174] : memref<10000x128xf32, #tpu.memory_space<vmem>>, vector<1x128xf32>
      %add3A_176 = arith.addf %add3A_148, %get3A_175 : vector<1x128xf32>
      %get3A_177 = arith.index_cast %scan3A_26 : i32 to index
      %get3A_178 = arith.constant 22 : index
      %get3A_179 = memref.load %arg3[%get3A_177, %get3A_178] : memref<80x32xi32, #tpu.memory_space<smem>>
      %get3A_180 = arith.index_cast %get3A_179 : i32 to index
      %get3A_181 = arith.constant 0 : index
      %get3A_182 = vector.load %arg1[%get3A_180, %get3A_181] : memref<10000x128xf32, #tpu.memory_space<vmem>>, vector<1x128xf32>
      %add3A_183 = arith.addf %add3A_155, %get3A_182 : vector<1x128xf32>
      %get3A_184 = arith.index_cast %scan3A_26 : i32 to index
      %get3A_185 = arith.constant 23 : index
      %get3A_186 = memref.load %arg3[%get3A_184, %get3A_185] : memref<80x32xi32, #tpu.memory_space<smem>>
      %get3A_187 = arith.index_cast %get3A_186 : i32 to index
      %get3A_188 = arith.constant 0 : index
      %get3A_189 = vector.load %arg1[%get3A_187, %get3A_188] : memref<10000x128xf32, #tpu.memory_space<vmem>>, vector<1x128xf32>
      %add3A_190 = arith.addf %add3A_162, %get3A_189 : vector<1x128xf32>
      %get3A_191 = arith.index_cast %scan3A_26 : i32 to index
      %get3A_192 = arith.constant 24 : index
      %get3A_193 = memref.load %arg3[%get3A_191, %get3A_192] : memref<80x32xi32, #tpu.memory_space<smem>>
      %get3A_194 = arith.index_cast %get3A_193 : i32 to index
      %get3A_195 = arith.constant 0 : index
      %get3A_196 = vector.load %arg1[%get3A_194, %get3A_195] : memref<10000x128xf32, #tpu.memory_space<vmem>>, vector<1x128xf32>
      %add3A_197 = arith.addf %add3A_169, %get3A_196 : vector<1x128xf32>
      %get3A_198 = arith.index_cast %scan3A_26 : i32 to index
      %get3A_199 = arith.constant 25 : index
      %get3A_200 = memref.load %arg3[%get3A_198, %get3A_199] : memref<80x32xi32, #tpu.memory_space<smem>>
      %get3A_201 = arith.index_cast %get3A_200 : i32 to index
      %get3A_202 = arith.constant 0 : index
      %get3A_203 = vector.load %arg1[%get3A_201, %get3A_202] : memref<10000x128xf32, #tpu.memory_space<vmem>>, vector<1x128xf32>
      %add3A_204 = arith.addf %add3A_176, %get3A_203 : vector<1x128xf32>
      %get3A_205 = arith.index_cast %scan3A_26 : i32 to index
      %get3A_206 = arith.constant 26 : index
      %get3A_207 = memref.load %arg3[%get3A_205, %get3A_206] : memref<80x32xi32, #tpu.memory_space<smem>>
      %get3A_208 = arith.index_cast %get3A_207 : i32 to index
      %get3A_209 = arith.constant 0 : index
      %get3A_210 = vector.load %arg1[%get3A_208, %get3A_209] : memref<10000x128xf32, #tpu.memory_space<vmem>>, vector<1x128xf32>
      %add3A_211 = arith.addf %add3A_183, %get3A_210 : vector<1x128xf32>
      %get3A_212 = arith.index_cast %scan3A_26 : i32 to index
      %get3A_213 = arith.constant 27 : index
      %get3A_214 = memref.load %arg3[%get3A_212, %get3A_213] : memref<80x32xi32, #tpu.memory_space<smem>>
      %get3A_215 = arith.index_cast %get3A_214 : i32 to index
      %get3A_216 = arith.constant 0 : index
      %get3A_217 = vector.load %arg1[%get3A_215, %get3A_216] : memref<10000x128xf32, #tpu.memory_space<vmem>>, vector<1x128xf32>
      %add3A_218 = arith.addf %add3A_190, %get3A_217 : vector<1x128xf32>
      %get3A_219 = arith.index_cast %scan3A_26 : i32 to index
      %get3A_220 = arith.constant 28 : index
      %get3A_221 = memref.load %arg3[%get3A_219, %get3A_220] : memref<80x32xi32, #tpu.memory_space<smem>>
      %get3A_222 = arith.index_cast %get3A_221 : i32 to index
      %get3A_223 = arith.constant 0 : index
      %get3A_224 = vector.load %arg1[%get3A_222, %get3A_223] : memref<10000x128xf32, #tpu.memory_space<vmem>>, vector<1x128xf32>
      %add3A_225 = arith.addf %add3A_197, %get3A_224 : vector<1x128xf32>
      %get3A_226 = arith.index_cast %scan3A_26 : i32 to index
      %get3A_227 = arith.constant 29 : index
      %get3A_228 = memref.load %arg3[%get3A_226, %get3A_227] : memref<80x32xi32, #tpu.memory_space<smem>>
      %get3A_229 = arith.index_cast %get3A_228 : i32 to index
      %get3A_230 = arith.constant 0 : index
      %get3A_231 = vector.load %arg1[%get3A_229, %get3A_230] : memref<10000x128xf32, #tpu.memory_space<vmem>>, vector<1x128xf32>
      %add3A_232 = arith.addf %add3A_204, %get3A_231 : vector<1x128xf32>
      %get3A_233 = arith.index_cast %scan3A_26 : i32 to index
      %get3A_234 = arith.constant 30 : index
      %get3A_235 = memref.load %arg3[%get3A_233, %get3A_234] : memref<80x32xi32, #tpu.memory_space<smem>>
      %get3A_236 = arith.index_cast %get3A_235 : i32 to index
      %get3A_237 = arith.constant 0 : index
      %get3A_238 = vector.load %arg1[%get3A_236, %get3A_237] : memref<10000x128xf32, #tpu.memory_space<vmem>>, vector<1x128xf32>
      %add3A_239 = arith.addf %add3A_211, %get3A_238 : vector<1x128xf32>
      %get3A_240 = arith.index_cast %scan3A_26 : i32 to index
      %get3A_241 = arith.constant 31 : index
      %get3A_242 = memref.load %arg3[%get3A_240, %get3A_241] : memref<80x32xi32, #tpu.memory_space<smem>>
      %get3A_243 = arith.index_cast %get3A_242 : i32 to index
      %get3A_244 = arith.constant 0 : index
      %get3A_245 = vector.load %arg1[%get3A_243, %get3A_244] : memref<10000x128xf32, #tpu.memory_space<vmem>>, vector<1x128xf32>
      %add3A_246 = arith.addf %add3A_218, %get3A_245 : vector<1x128xf32>
      %add3A_247 = arith.addf %add3A_225, %add3A_232 : vector<1x128xf32>
      %add3A_248 = arith.addf %add3A_239, %add3A_246 : vector<1x128xf32>
      %add3A_249 = arith.addf %add3A_247, %add3A_248 : vector<1x128xf32>
      %swap3A_250 = arith.index_cast %scan3A_26 : i32 to index
      %swap3A_251 = arith.constant 0 : index
      %swap3A_252 = vector.load %arg8[%swap3A_250, %swap3A_251] : memref<80x128xf32, #tpu.memory_space<vmem>>, vector<1x128xf32>
      tpu.vector_store %arg8[%swap3A_250, %swap3A_251], %add3A_249 {strides = array<i32>} : memref<80x128xf32, #tpu.memory_space<vmem>>, vector<1x128xf32>,
    }
    %scan3A_3 = arith.constant 80 : i32
    %get3A = arith.constant 0 : index
    %get3A_4 = arith.constant 0 : index
    %get3A_5 = memref.load %arg4[%get3A, %get3A_4] : memref<1x1xf32, #tpu.memory_space<smem>>
    %add3A = arith.constant 1.000000e+00 : f32
    %add3A_6 = arith.addf %add3A, %get3A_5 : f32
    %get3A_7 = arith.constant 0 : index
    %get3A_8 = arith.constant 0 : index
    %get3A_9 = vector.load %arg2[%get3A_7, %get3A_8] : memref<80x128xf32, #tpu.memory_space<vmem>>, vector<80x128xf32>
    %mul3A = vector.broadcast %add3A_6 : f32 to vector<80x128xf32>
    %mul3A_10 = arith.mulf %mul3A, %get3A_9 : vector<80x128xf32>
    %get3A_11 = arith.constant 0 : index
    %get3A_12 = arith.constant 0 : index
    %get3A_13 = vector.load %arg8[%get3A_11, %get3A_12] : memref<80x128xf32, #tpu.memory_space<vmem>>, vector<80x128xf32>
    %add3A_14 = arith.addf %mul3A_10, %get3A_13 : vector<80x128xf32>
    %get3A_15 = arith.constant 0 : index
    %get3A_16 = arith.constant 0 : index
    %get3A_17 = vector.load %arg5[%get3A_15, %get3A_16] : memref<128x128xf32, #tpu.memory_space<vmem>>, vector<128x128xf32>
    %dot_general3A = arith.constant dense<0.000000e+00> : vector<80x128xf32>
    %dot_general3A_18 = tpu.matmul %add3A_14, %get3A_17, %dot_general3A {dimension_numbers = #tpu.dot_dimension_numbers<[1], [0], [0], [1], [0, 0, 1, 1], [], []>, transpose_lhs_hint = false} : vector<80x128xf32>, vector<128x128xf32>, vector<80x128xf32> -> vector<80x128xf32>
    %get3A_19 = arith.constant 0 : index
    %get3A_20 = arith.constant 0 : index
    %get3A_21 = vector.load %arg6[%get3A_19, %get3A_20] : memref<1x128xf32, #tpu.memory_space<vmem>>, vector<1x128xf32>
    %add3A_22 = vector.broadcast %get3A_21 : vector<1x128xf32> to vector<80x128xf32>
    %add3A_23 = arith.addf %dot_general3A_18, %add3A_22 : vector<80x128xf32>
    %swap3A = arith.constant 0 : index
    %swap3A_24 = arith.constant 0 : index
    %swap3A_25 = vector.load %arg7[%swap3A, %swap3A_24] : memref<80x128xf32, #tpu.memory_space<vmem>>, vector<80x128xf32>
    tpu.vector_store %arg7[%swap3A, %swap3A_24], %add3A_23 {strides = array<i32>} : memref<80x128xf32, #tpu.memory_space<vmem>>, vector<80x128xf32>,
    return
  }
  func.func @transform_0(%arg0: i32) -> (i32, i32) {
    %c0_i32 = arith.constant 0 : i32
    %c0_i32_0 = arith.constant 0 : i32
    %c0_i32_1 = arith.constant 0 : i32
    return %c0_i32, %c0_i32_0 : i32, i32
  }
  func.func @transform_1(%arg0: i32) -> (i32, i32) {
    %c0_i32 = arith.constant 0 : i32
    %c0_i32_0 = arith.constant 0 : i32
    return %arg0, %c0_i32 : i32, i32
  }
  func.func @transform_2(%arg0: i32) -> (i32, i32) {
    %c0_i32 = arith.constant 0 : i32
    %c0_i32_0 = arith.constant 0 : i32
    return %arg0, %c0_i32 : i32, i32
  }
  func.func @transform_3(%arg0: i32) -> (i32, i32) {
    %c0_i32 = arith.constant 0 : i32
    %c0_i32_0 = arith.constant 0 : i32
    %c0_i32_1 = arith.constant 0 : i32
    return %c0_i32, %c0_i32_0 : i32, i32
  }
  func.func @transform_4(%arg0: i32) -> (i32, i32) {
    %c0_i32 = arith.constant 0 : i32
    %c0_i32_0 = arith.constant 0 : i32
    %c0_i32_1 = arith.constant 0 : i32
    return %c0_i32, %c0_i32_0 : i32, i32
  }
  func.func @transform_5(%arg0: i32) -> (i32, i32) {
    %c0_i32 = arith.constant 0 : i32
    %c0_i32_0 = arith.constant 0 : i32
    %c0_i32_1 = arith.constant 0 : i32
    return %c0_i32, %c0_i32_0 : i32, i32
  }
  func.func @transform_6(%arg0: i32) -> (i32, i32) {
    %c0_i32 = arith.constant 0 : i32
    %c0_i32_0 = arith.constant 0 : i32
    return %arg0, %c0_i32 : i32, i32
  }
}

module attributes {stable_mosaic.version = 14 : i64} {
  func.func @_tc_lin_body(%arg0: i32, %arg1: memref<640x128xf32, #tpu.memory_space<vmem>>, %arg2: memref<640x128xf32, #tpu.memory_space<vmem>>, %arg3: memref<1x1xf32, #tpu.memory_space<smem>>, %arg4: memref<128x128xf32, #tpu.memory_space<vmem>>, %arg5: memref<1x128xf32, #tpu.memory_space<vmem>>, %arg6: memref<640x128xf32, #tpu.memory_space<vmem>>) attributes {dimension_semantics = [#tpu.dimension_semantics<arbitrary>], iteration_bounds = array<i64: 12>, scalar_prefetch = 0 : i64, scratch_operands = 0 : i64, tpu.core_type = #tpu.core_type<tc>, window_params = [{transform_indices = @transform_0, window_bounds = array<i64: 640, 128>}, {transform_indices = @transform_1, window_bounds = array<i64: 640, 128>}, {transform_indices = @transform_2, window_bounds = array<i64: 1, 1>}, {pipeline_mode = #tpu.pipeline_mode<synchronous>, transform_indices = @transform_3, window_bounds = array<i64: 128, 128>}, {pipeline_mode = #tpu.pipeline_mode<synchronous>, transform_indices = @transform_4, window_bounds = array<i64: 1, 128>}, {transform_indices = @transform_5, window_bounds = array<i64: 640, 128>}]} {
    %get3A = arith.constant 0 : index
    %get3A_0 = arith.constant 0 : index
    %get3A_1 = memref.load %arg3[%get3A, %get3A_0] : memref<1x1xf32, #tpu.memory_space<smem>>
    %add3A = arith.constant 1.000000e+00 : f32
    %add3A_2 = arith.addf %add3A, %get3A_1 : f32
    %get3A_3 = arith.constant 0 : index
    %get3A_4 = arith.constant 0 : index
    %get3A_5 = vector.load %arg1[%get3A_3, %get3A_4] : memref<640x128xf32, #tpu.memory_space<vmem>>, vector<640x128xf32>
    %mul3A = vector.broadcast %add3A_2 : f32 to vector<640x128xf32>
    %mul3A_6 = arith.mulf %mul3A, %get3A_5 : vector<640x128xf32>
    %get3A_7 = arith.constant 0 : index
    %get3A_8 = arith.constant 0 : index
    %get3A_9 = vector.load %arg2[%get3A_7, %get3A_8] : memref<640x128xf32, #tpu.memory_space<vmem>>, vector<640x128xf32>
    %add3A_10 = arith.addf %mul3A_6, %get3A_9 : vector<640x128xf32>
    %get3A_11 = arith.constant 0 : index
    %get3A_12 = arith.constant 0 : index
    %get3A_13 = vector.load %arg4[%get3A_11, %get3A_12] : memref<128x128xf32, #tpu.memory_space<vmem>>, vector<128x128xf32>
    %dot_general3A = arith.constant dense<0.000000e+00> : vector<640x128xf32>
    %dot_general3A_14 = tpu.matmul %add3A_10, %get3A_13, %dot_general3A {dimension_numbers = #tpu.dot_dimension_numbers<[1], [0], [0], [1], [0, 0, 1, 1], [], []>, transpose_lhs_hint = false} : vector<640x128xf32>, vector<128x128xf32>, vector<640x128xf32> -> vector<640x128xf32>
    %get3A_15 = arith.constant 0 : index
    %get3A_16 = arith.constant 0 : index
    %get3A_17 = vector.load %arg5[%get3A_15, %get3A_16] : memref<1x128xf32, #tpu.memory_space<vmem>>, vector<1x128xf32>
    %add3A_18 = vector.broadcast %get3A_17 : vector<1x128xf32> to vector<640x128xf32>
    %add3A_19 = arith.addf %dot_general3A_14, %add3A_18 : vector<640x128xf32>
    %swap3A = arith.constant 0 : index
    %swap3A_20 = arith.constant 0 : index
    %swap3A_21 = vector.load %arg6[%swap3A, %swap3A_20] : memref<640x128xf32, #tpu.memory_space<vmem>>, vector<640x128xf32>
    tpu.vector_store %arg6[%swap3A, %swap3A_20], %add3A_19 {strides = array<i32>} : memref<640x128xf32, #tpu.memory_space<vmem>>, vector<640x128xf32>,
    return
  }
  func.func @transform_0(%arg0: i32) -> (i32, i32) {
    %c0_i32 = arith.constant 0 : i32
    %c0_i32_0 = arith.constant 0 : i32
    return %arg0, %c0_i32 : i32, i32
  }
  func.func @transform_1(%arg0: i32) -> (i32, i32) {
    %c0_i32 = arith.constant 0 : i32
    %c0_i32_0 = arith.constant 0 : i32
    return %arg0, %c0_i32 : i32, i32
  }
  func.func @transform_2(%arg0: i32) -> (i32, i32) {
    %c0_i32 = arith.constant 0 : i32
    %c0_i32_0 = arith.constant 0 : i32
    %c0_i32_1 = arith.constant 0 : i32
    return %c0_i32, %c0_i32_0 : i32, i32
  }
  func.func @transform_3(%arg0: i32) -> (i32, i32) {
    %c0_i32 = arith.constant 0 : i32
    %c0_i32_0 = arith.constant 0 : i32
    %c0_i32_1 = arith.constant 0 : i32
    return %c0_i32, %c0_i32_0 : i32, i32
  }
  func.func @transform_4(%arg0: i32) -> (i32, i32) {
    %c0_i32 = arith.constant 0 : i32
    %c0_i32_0 = arith.constant 0 : i32
    %c0_i32_1 = arith.constant 0 : i32
    return %c0_i32, %c0_i32_0 : i32, i32
  }
  func.func @transform_5(%arg0: i32) -> (i32, i32) {
    %c0_i32 = arith.constant 0 : i32
    %c0_i32_0 = arith.constant 0 : i32
    return %arg0, %c0_i32 : i32, i32
  }
}

</mosaic_0001>

<sc_bundles>
// kernel: kernel.5.cloned.1.call-start
scs
__scs_entry_jumppad:
0x0: {  	(pc) =	sbr.rel $0x88, $3  }
0x1: {  	(tag) =	ssettag $0x0;
	lr =	simm.s32 $0x1  }
0x2: {  	[smem:$0x3F9C] =	sst lr;
	_ =	strace $0xD0000000  }
0x3: {  	_ = 	snop  }
0x4: {  	_ = 	snop  }
0x5: {  	_ = 	snop  }
0x6: {  	_ = 	snop  }
0x7: {  	_ = 	snop  }
__scs_overlays_trampoline_lowered:
0x8: {  	[smem:$0x3FAB] =	sst s0  }
0x9: {  	[smem:$0x3FAC] =	sst s1  }
0xa: {  	[smem:$0x3FAD] =	sst s2  }
0xb: {  	[smem:$0x3FAE] =	sst s3  }
0xc: {  	[smem:$0x3FAF] =	sst s4  }
0xd: {  	[smem:$0x3FB0] =	sst s5  }
0xe: {  	[smem:$0x3FB1] =	sst s6  }
0xf: {  	[smem:$0x3FB2] =	sst s7  }
0x10: {  	[smem:$0x3FB3] =	sst s8  }
0x11: {  	[smem:$0x3FB4] =	sst s9;
	s0 =	simm.s32 @!p0 $0x0  }
0x12: {  	s1 =	sld [smem:$0x3F9A];
	s0 =	simm.s32 @p0 $0x1  }
0x13: {  	[smem:$0x3FB5] =	sst s0;
	s0 =	simm.s32 @!p1 $0x0  }
0x14: {  	s2 =	sld [smem:$0x3F99];
	s0 =	simm.s32 @p1 $0x1  }
0x15: {  	[smem:$0x3FB6] =	sst s0;
	s0 =	simm.s32 @!p2 $0x0  }
0x16: {  	s3 =	sld [smem:$0x3FDB];
	s0 =	simm.s32 @p2 $0x1  }
0x17: {  	s4 =	simm.s32 $0x1BF5;
	[smem:$0x3FB8] =	sst s0  }
0x18: {  	s0 =	sld [smem:$0x3F9B];
	_ =	swait.ge [sflag:s4], $0x0  }
0x19: {  	s7 =	sld [smem:$0x3F9C]  }
0x1a: {  	s8 =	sadd.s32 $0xFFFFE003, lr  }
0x1b: {  	s9 =	sadd.s32 $0xFFFFFEF7, lr;
	s5 =	simm.s32 $0xFFFFFFFF;
	p2 =	slt.u32 s8, $0xFFFFF086  }
0x1c: {  	p1 =	slt.u32 s9, $0xF7A;
	s5 =	simm.s32 @!p2 $0x0  }
0x1d: {  	s5 =	simm.s32 @p1 $0x1;
	p0 =	seq.s32 s7, s2  }
0x1e: {  	s7 =	smul.u32 @!p0 $0xF7A, s2;
	p2 =	seq.s32 @!p0 s5, $0x0  }
0x1f: {  	s9 =	smul.u32 $0xF7A, s1;
	s8 =	simm.s32 @!p0 $0x1BF5;
	p2 =	por !p2, p0  }
0x20: {  	[sflag:s8] =	ssyncset.s32 @!p0 $0xFFFFF086;
	s6 =	sadd.s32 @!p0 s3, s7;
	s7 =	simm.s32 @!p0 $0x108  }
0x21: {  	s3 =	sadd.s32 s3, s9;
	s6 =	sadd.s32 @!p0 $0x88, s6;
	s7 =	simm.s32 @p2 $0x1082  }
0x22: {  	[simem:s7], [sflag:s8] =	dma.local @!p0 [hbm:s6], $0xF7A  }
0x23: {  	s9 =	sor.u32 $0xD0000000, s2;
	s6 =	simm.s32 $0x108;
	_ =	swait.ge @!p0 [sflag:s8], $0x0  }
0x24: {  	s3 =	sadd.s32 $0x88, s3;
	s6 =	simm.s32 @!p1 $0x1082;
	[sflag:s4] =	ssyncset.s32 $0xFFFFF086  }
0x25: {  	[simem:s6], [sflag:s4] =	dma.local [hbm:s3], $0xF7A  }
0x26: {  	[smem:$0x3F9C] =	sst s1;
	(tag) =	ssettag s2;
	_ =	strace s9  }
0x27: {  	s1 =	sld [smem:$0x3FAC]  }
0x28: {  	s2 =	sld [smem:$0x3FAD]  }
0x29: {  	s4 =	sld [smem:$0x3FAF]  }
0x2a: {  	p0 =	seq.s32 s5, $0x0;
	s5 =	sld [smem:$0x3FB0]  }
0x2b: {  	s6 =	sld [smem:$0x3FB1]  }
0x2c: {  	s7 =	sld [smem:$0x3FB2]  }
0x2d: {  	s3 =	simm.s32 $0x108;
	s8 =	sld [smem:$0x3FB3]  }
0x2e: {  	s3 =	simm.s32 @!p0 $0x1082;
	s9 =	sld [smem:$0x3FB4]  }
0x2f: {  	lr =	sadd.s32 s0, s3;
	s0 =	sld [smem:$0x3FAB]  }
0x30: {  	s3 =	sld [smem:$0x3FAE]  }
0x31: {  	[smem:$0x3FB7] =	sst s10  }
0x32: {  	s10 =	sld [smem:$0x3FB5];
	_ =	sdelay $0x3  }
0x33: {  	p0 =	seq.s32 s10, $0x1;
	s10 =	sld [smem:$0x3FB7];
	_ =	sdelay $0x3  }
0x34: {  	[smem:$0x3FB7] =	sst s10  }
0x35: {  	s10 =	sld [smem:$0x3FB6];
	_ =	sdelay $0x3  }
0x36: {  	p1 =	seq.s32 s10, $0x1;
	s10 =	sld [smem:$0x3FB7];
	_ =	sdelay $0x3  }
0x37: {  	[smem:$0x3FB7] =	sst s10  }
0x38: {  	s10 =	sld [smem:$0x3FB8]  }
0x39: {  	_ = 	snop;
	(pc) =	sbr.ind lr, $3  }
0x3a: {  	_ = 	snop  }
0x3b: {  	_ = 	snop  }
0x3c: {  	p2 =	seq.s32 s10, $0x1;
	s10 =	sld [smem:$0x3FB7]  }
0x3d: {  	_ =	shalt  }
0x3e: {  	_ =	shalt  }
0x3f: {  	_ =	shalt  }
0x40: {  	_ =	shalt  }
0x41: {  	_ =	shalt  }
0x42: {  	_ =	shalt  }
0x43: {  	_ =	shalt  }
0x44: {  	_ =	shalt  }
0x45: {  	_ =	shalt  }
0x46: {  	_ =	shalt  }
0x47: {  	_ =	shalt  }
0x48: {  	_ =	shalt  }
0x49: {  	_ =	shalt  }
0x4a: {  	_ =	shalt  }
0x4b: {  	_ =	shalt  }
0x4c: {  	_ =	shalt  }
0x4d: {  	_ =	shalt  }
0x4e: {  	_ =	shalt  }
0x4f: {  	_ =	shalt  }
0x50: {  	_ =	shalt  }
0x51: {  	_ =	shalt  }
0x52: {  	_ =	shalt  }
0x53: {  	_ =	shalt  }
0x54: {  	_ =	shalt  }
0x55: {  	_ =	shalt  }
0x56: {  	_ =	shalt  }
0x57: {  	_ =	shalt  }
0x58: {  	_ =	shalt  }
0x59: {  	_ =	shalt  }
0x5a: {  	_ =	shalt  }
0x5b: {  	_ =	shalt  }
0x5c: {  	_ =	shalt  }
0x5d: {  	_ =	shalt  }
0x5e: {  	_ =	shalt  }
0x5f: {  	_ =	shalt  }
0x60: {  	_ =	shalt  }
0x61: {  	_ =	shalt  }
0x62: {  	_ =	shalt  }
0x63: {  	_ =	shalt  }
0x64: {  	_ =	shalt  }
0x65: {  	_ =	shalt  }
0x66: {  	_ =	shalt  }
0x67: {  	_ =	shalt  }
0x68: {  	_ =	shalt  }
0x69: {  	_ =	shalt  }
0x6a: {  	_ =	shalt  }
0x6b: {  	_ =	shalt  }
0x6c: {  	_ =	shalt  }
0x6d: {  	_ =	shalt  }
0x6e: {  	_ =	shalt  }
0x6f: {  	_ =	shalt  }
0x70: {  	_ =	shalt  }
0x71: {  	_ =	shalt  }
0x72: {  	_ =	shalt  }
0x73: {  	_ =	shalt  }
0x74: {  	_ =	shalt  }
0x75: {  	_ =	shalt  }
0x76: {  	_ =	shalt  }
0x77: {  	_ =	shalt  }
0x78: {  	_ =	shalt  }
0x79: {  	_ =	shalt  }
0x7a: {  	_ =	shalt  }
0x7b: {  	_ =	shalt  }
0x7c: {  	_ =	shalt  }
0x7d: {  	_ =	shalt  }
0x7e: {  	_ =	shalt  }
0x7f: {  	_ =	shalt  }
0x80: {  	_ =	shalt  }
0x81: {  	_ =	shalt  }
0x82: {  	_ =	shalt  }
0x83: {  	_ =	shalt  }
0x84: {  	_ =	shalt  }
0x85: {  	_ =	shalt  }
0x86: {  	_ =	shalt  }
0x87: {  	_ =	shalt  }
.Lfunc_end0:
.L_simem_size_0:
called_computation_lowered:
.L_overlay_start_0:
0x88: {  	s2 =	sld [smem:$0x3FD9]  }
0x89: {  	s3 =	sld [smem:$0x3FFE];
	_ =	sdelay $0x1  }
0x8a: {  	s1 =	srdreg.scid  }
0x8b: {  	s0 =	sand.u32 $0x1, s1  }
0x8c: {  	s17 =	sshll.u32 s0, $0xA;
	s2 =	sadd.s32 s3, s2  }
0x8d: {  	s2 =	sadd.s32 s2, s17  }
0x8e: {  	[smem:$0x3FC3] =	sst s2  }
0x8f: {  	_ = 	snop  }
0x90: {  	s2 =	sld [smem:$0x3FC9]  }
0x91: {  	s18 =	sld [smem:$0x3FD0];
	(tm) =	ssettm $0x1  }
0x92: {  	s4 =	sld [smem:$0x3FFB];
	_ =	sdelay $0x3  }
0x93: {  	_ =	strace s4  }
0x94: {  	s4 =	sld [smem:$0x3FFC];
	_ =	sdelay $0x3  }
0x95: {  	_ =	strace s4  }
0x96: {  	s4 =	sld [smem:$0x3FFD];
	_ =	sdelay $0x3  }
0x97: {  	_ =	strace s4  }
0x98: {  	_ =	strace $0x8FFFFFFF  }
0x99: {  	s19 =	sld [smem:$0x3FDB];
	_ =	sdelay $0x1  }
0x9a: {  	s5 =	simm.s32 $_scs_section_size  }
0x9b: {  	s6 =	simm.s32 $_size__tile_overlayer_lowered;
	s7 =	simm.s32 $_tile_overlayer_lowered  }
0x9c: {  	s22 =	simm.s32 $0x1BFF;
	s21 =	sshll.u32 s7, $0x1;
	s4 =	sadd.s32 s5, s19  }
0x9d: {  	s8 =	simm.s32 $0x0;
	s20 =	sshll.u32 s6, $0x1;
	s6 =	sadd.s32 s21, s4  }
0x9e: {  	[timem:s8], [sflag:s22] =	dma.local [hbm:s6], s20  }
0x9f: {  	_ =	swait.ge [sflag:s22], s20  }
0xa0: {  	s5 =	ssub.s32 $0x0, s20;
	[sflag:s22] =	ssyncset.done $0x0  }
0xa1: {  	[sflag:s22] =	ssyncadd.s32 s5;
	_ =	sdelay $0x1  }
0xa2: {  	s23 =	simm.s32 $0x1B8B  }
0xa3: {  	_ =	swait.ge [sflag:s23], $0x1  }
0xa4: {  	[sflag:s23] =	ssyncset.done $0x0  }
0xa5: {  	s25 =	simm.s32 $0x1B8E;
	s24 =	sld [smem:$0x3FFE];
	[sflag:s23] =	ssyncadd.s32 $0xFFFFFFFF  }
0xa6: {  	s26 =	simm.s32 $execute0_lowered;
	[smem:$0x3FD2] =	sst s25  }
0xa7: {  	s6 =	sshll.u32 s26, $0x1;
	_ =	strace $0x80000046;
	[dreg:$0x1] =	wrdreg $0xFFFFFFFF  }
0xa8: {  	s28 =	simm.s32 $_size_execute0_lowered;
	s4 =	sadd.s32 s4, s6;
	[dreg:$0x0] =	wrdreg $0x0  }
0xa9: {  	s6 =	sshll.u32 s28, $0x1;
	[dreg:$0x2] =	wrdreg s4  }
0xaa: {  	[dreg:$0x3] =	wrdreg s6  }
0xab: {  	[dreg:$0x4] =	wrdreg $0xC0  }
0xac: {  	_ =	task [dreg:s8], $0x5FFFF  }
0xad: {  	[dreg:$0x1] =	wrdreg $0xFFFFFFFF  }
0xae: {  	[dreg:$0x0] =	wrdreg $0x60  }
0xaf: {  	[dreg:$0x2] =	wrdreg s2  }
0xb0: {  	[dreg:$0x3] =	wrdreg s24  }
0xb1: {  	[dreg:$0x4] =	wrdreg s18  }
0xb2: {  	[dreg:$0x5] =	wrdreg $0x9  }
0xb3: {  	_ =	task.clear_ibuf [dreg:s8], $0x6FFFF;
	_ =	strace $0x90000046  }
0xb4: {  	s29 =	simm.s32 $0x9;
	_ =	strace $0x80000048  }
0xb5: {  	_ =	swait.ge [sflag:s29], $0x1  }
0xb6: {  	[sflag:s29] =	ssyncadd.s32 $0xFFFFFFFF  }
0xb7: {  	_ =	strace $0x90000048  }
0xb8: {  	_ =	sfence  }
0xb9: {  	s30 =	sld [smem:$0x0];
	_ =	sdelay $0x2  }
0xba: {  	s31 =	sshll.u32 s1, $0xD;
	s1 =	sshrl.u32 s1, $0x2  }
0xbb: {  	s3 =	sand.u32 $0x4000, s31;
	s1 =	sadd.s32 s1, s30  }
0xbc: {  	s0 =	sor.u32 s3, s0;
	s1 =	sshll.u32 s1, $0x11  }
0xbd: {  	s0 =	sor.u32 s1, s0  }
0xbe: {  	s0 =	sadd.s32 $0x8F2B, s0  }
0xbf: {  	[sflag:s0] =	ssyncadd.remote.s32 $0x1  }
0xc0: {  	_ =	sfence.sel $0xFFFF  }
0xc1: {  	[dreg:$0x0] =	wrdreg $0xFFFFFFFF;
	(pc) =	sbr.abs _section_cstart, $3  }
0xc2: {  	[dreg:$0x1] =	wrdreg $0xFFFFFFFF  }
0xc3: {  	_ =	task.clear_ibuf [dreg:s8], $0x2FFFF;
	_ =	strace $0x9FFFFFFF  }
0xc4: {  	(tm) =	ssettm $0x7FFFFFFF  }
0xc5: {  	_ =	shalt  }
tec
execute0_lowered:
.L_overlay_start_1:
0x0: {  	(tag) =	ssettag $0x1  }
0x1: {  	s1 =	rddreg [dreg:$0x0]  }
0x2: {  	s4 =	rddreg [dreg:$0x1]  }
0x3: {  	s5 =	rddreg [dreg:$0x2]  }
0x4: {  	s0 =	rddreg [dreg:$0x3];
	s6 =	srdreg.scid  }
0x5: {  	s2 =	stileid.u32;
	s3 =	simm.s32 $0x0;
	s9 =	simm.s32 $0x2000  }
0x6: {  	s10 =	simm.s32 $0x6000;
	s11 =	simm.s32 $0x1;
	s12 =	simm.s32 $0x2  }
0x7: {  	s13 =	simm.s32 $0xA000;
	s6 =	sand.u32 $0x1, s6;
	s7 =	sshll.u32 s2, $0x1  }
0x8: {  	s14 =	simm.s32 $0x0;
	[smem:$0x7FF] =	sst s3;
	s7 =	sor.u32 s6, s7  }
0x9: {  	s6 =	ssub.s32 $0x2, s6;
	_ =	strace $0x80000047;
	s8 =	sshll.u32 s7, $0xA  }
0xa: {  	s7 =	smul.u32 $0xF00, s7;
	s31 =	sshrl.u32 s6, $0x1;
	s4 =	sadd.s32 s8, s4  }
0xb: {  	s6 =	ssub.s32 s6, s31;
	s8 =	simm.s32 $0x80;
	s4 =	sadd.s32 $0x1600, s4  }
0xc: {  	s5 =	sadd.s32 s5, s7;
	s6 =	smax.u32 s6, $0x1;
	s7 =	simm.s32 $0x3  }
.LBB2_1:
0xd: {  	[tilespmem:s3], [sflag:$0x3] =	stream.linear.gather [hbm4b:s4+s3], $0x1E00, $0x38;
	[tilespmem:$0x11800] =	vst v63  }
0xe: {  	_ =	swait.ge [sflag:s7], $0x1E00  }
0xf: {  	[sflag:s7] =	ssyncset.done $0x0  }
0x10: {  	[sflag:s7] =	ssyncadd.s32 $0xFFFFE200  }
0x11: {  	[tilespmem:s9], [sflag:$0x1] =	stream.indirect.gather [hbm4b:s1+s8], $0x80, s3, s8, $0xb8;
	[tilespmem:$0x11800] =	vst v63  }
0x12: {  	s16 =	simm.s32 $0x0  }
0x13: {  	[tilespmem:s10], [sflag:$0x2] =	stream.indirect.gather [hbm4b:s1+s8], $0x80, s8, s8, $0xb8;
	[tilespmem:$0x11800] =	vst v63  }
.LBB2_2:
0x14: {  	_ =	swait.ge [sflag:s11], $0x4000  }
0x15: {  	[sflag:s11] =	ssyncset.done $0x0  }
0x16: {  	s15 =	simm.s32 $0x0;
	[sflag:s11] =	ssyncadd.s32 $0xFFFFC000  }
0x17: {  	v3 =	vld [tilespmem:s15+$0x2080]  }
0x18: {  	v5 =	vld [tilespmem:s15+$0x2090]  }
0x19: {  	v2 =	vld [tilespmem:s15+$0x20A0]  }
0x1a: {  	v4 =	vld [tilespmem:s15+$0x20B0]  }
0x1b: {  	v0 =	vld [tilespmem:s15+$0x20C0]  }
0x1c: {  	v1 =	vld [tilespmem:s15+$0x20D0]  }
0x1d: {  	v19 =	vld [tilespmem:s15+$0x2000]  }
0x1e: {  	v20 =	vld [tilespmem:s15+$0x2010]  }
0x1f: {  	v18 =	vld [tilespmem:s15+$0x2020]  }
0x20: {  	v17 =	vld [tilespmem:s15+$0x2030]  }
0x21: {  	v10 =	vimm.f32 $0.0e+00;
	v11 =	vimm.f32 $0.0e+00;
	v14 =	vld [tilespmem:s15+$0x2040]  }
0x22: {  	v13 =	vimm.f32 $0.0e+00;
	v12 =	vimm.f32 $0.0e+00;
	v8 =	vimm.f32 $0.0e+00;
	v15 =	vld [tilespmem:s15+$0x2050]  }
0x23: {  	s17 =	simm.s32 $0x400;
	v9 =	vimm.f32 $0.0e+00;
	v7 =	vimm.f32 $0.0e+00;
	v6 =	vimm.f32 $0.0e+00;
	v16 =	vld [tilespmem:s15+$0x2060]  }
.LBB2_3:
0x24: {  	p0 =	sne.s32 s17, $0x3C00;
	v10 =	vadd.f32 v19, v10;
	v11 =	vadd.f32 v20, v11;
	v19 =	vld [tilespmem:s15+$0x2070]  }
0x25: {  	v13 =	vadd.f32 v18, v13;
	v12 =	vadd.f32 v17, v12;
	v17 =	vld [tilespmem:s15+$0x20E0]  }
0x26: {  	v10 =	vadd.f32 v3, v10;
	v11 =	vadd.f32 v5, v11;
	v18 =	vld [tilespmem:s15+$0x20F0];
	s15 =	sshra.s32 s17, $0x2  }
0x27: {  	v13 =	vadd.f32 v2, v13;
	v3 =	vld [tilespmem:s15+$0x2080];
	v12 =	vadd.f32 v4, v12  }
0x28: {  	v8 =	vadd.f32 v14, v8;
	v9 =	vadd.f32 v15, v9;
	v5 =	vld [tilespmem:s15+$0x2090]  }
0x29: {  	v7 =	vadd.f32 v16, v7;
	v2 =	vld [tilespmem:s15+$0x20A0];
	v6 =	vadd.f32 v19, v6  }
0x2a: {  	v8 =	vadd.f32 v0, v8;
	v9 =	vadd.f32 v1, v9;
	v4 =	vld [tilespmem:s15+$0x20B0]  }
0x2b: {  	v7 =	vadd.f32 v17, v7;
	v0 =	vld [tilespmem:s15+$0x20C0];
	v6 =	vadd.f32 v18, v6  }
0x2c: {  	v1 =	vld [tilespmem:s15+$0x20D0]  }
0x2d: {  	v19 =	vld [tilespmem:s15+$0x2000]  }
0x2e: {  	v20 =	vld [tilespmem:s15+$0x2010]  }
.Ltmp0:
0x2f: {  	v18 =	vld [tilespmem:s15+$0x2020];
	(pc) =	sbr.rel @p0 .LBB2_3-.Ltmp0, $4  }
0x30: {  	v17 =	vld [tilespmem:s15+$0x2030]  }
0x31: {  	v14 =	vld [tilespmem:s15+$0x2040]  }
0x32: {  	v15 =	vld [tilespmem:s15+$0x2050]  }
0x33: {  	s17 =	sadd.s32 $0x400, s17;
	v16 =	vld [tilespmem:s15+$0x2060]  }
0x34: {  	v10 =	vadd.f32 v19, v10  }
0x35: {  	v11 =	vadd.f32 v20, v11;
	v19 =	vld [tilespmem:s15+$0x2070]  }
0x36: {  	v13 =	vadd.f32 v18, v13;
	v18 =	vld [tilespmem:s15+$0x20E0];
	v3 =	vadd.f32 v3, v10  }
0x37: {  	v10 =	vadd.f32 v17, v12;
	v5 =	vadd.f32 v5, v11;
	v11 =	vld [tilespmem:s15+$0x20F0];
	s15 =	sshll.u32 s16, $0xA  }
0x38: {  	v2 =	vadd.f32 v2, v13;
	v8 =	vadd.f32 v14, v8;
	[tilespmem:s15+$0xA000] =	vst v3  }
0x39: {  	v3 =	vadd.f32 v4, v10;
	v4 =	vadd.f32 v15, v9;
	[tilespmem:s15+$0xA010] =	vst v5  }
0x3a: {  	v5 =	vadd.f32 v16, v7;
	v0 =	vadd.f32 v0, v8;
	[tilespmem:s15+$0xA020] =	vst v2  }
0x3b: {  	v2 =	vadd.f32 v19, v6;
	v1 =	vadd.f32 v1, v4;
	[tilespmem:s15+$0xA030] =	vst v3  }
0x3c: {  	v3 =	vadd.f32 v18, v5;
	[tilespmem:s15+$0xA040] =	vst v0  }
0x3d: {  	v0 =	vadd.f32 v11, v2;
	[tilespmem:s15+$0xA050] =	vst v1  }
0x3e: {  	[tilespmem:s15+$0xA060] =	vst v3  }
0x3f: {  	s17 =	simm.s32 $0x0;
	[tilespmem:s15+$0xA070] =	vst v0  }
0x40: {  	v2 =	vld [tilespmem:s17+$0x3080]  }
0x41: {  	v5 =	vld [tilespmem:s17+$0x3090]  }
0x42: {  	v3 =	vld [tilespmem:s17+$0x30A0]  }
0x43: {  	v4 =	vld [tilespmem:s17+$0x30B0]  }
0x44: {  	v0 =	vld [tilespmem:s17+$0x30C0]  }
0x45: {  	v1 =	vld [tilespmem:s17+$0x30D0]  }
0x46: {  	v19 =	vld [tilespmem:s17+$0x3000]  }
0x47: {  	v20 =	vld [tilespmem:s17+$0x3010]  }
0x48: {  	v18 =	vld [tilespmem:s17+$0x3020]  }
0x49: {  	v17 =	vld [tilespmem:s17+$0x3030]  }
0x4a: {  	v13 =	vimm.f32 $0.0e+00;
	v12 =	vimm.f32 $0.0e+00;
	v14 =	vld [tilespmem:s17+$0x3040]  }
0x4b: {  	v10 =	vimm.f32 $0.0e+00;
	v8 =	vimm.f32 $0.0e+00;
	v9 =	vimm.f32 $0.0e+00;
	v15 =	vld [tilespmem:s17+$0x3050]  }
0x4c: {  	s18 =	simm.s32 $0x400;
	v7 =	vimm.f32 $0.0e+00;
	v6 =	vimm.f32 $0.0e+00;
	v11 =	vimm.f32 $0.0e+00;
	v16 =	vld [tilespmem:s17+$0x3060]  }
.LBB2_5:
0x4d: {  	p0 =	sne.s32 s18, $0x3C00;
	v10 =	vadd.f32 v19, v10;
	v11 =	vadd.f32 v20, v11;
	v19 =	vld [tilespmem:s17+$0x3070]  }
0x4e: {  	v13 =	vadd.f32 v18, v13;
	v12 =	vadd.f32 v17, v12;
	v17 =	vld [tilespmem:s17+$0x30E0]  }
0x4f: {  	v10 =	vadd.f32 v2, v10;
	v11 =	vadd.f32 v5, v11;
	v18 =	vld [tilespmem:s17+$0x30F0];
	s17 =	sshra.s32 s18, $0x2  }
0x50: {  	v13 =	vadd.f32 v3, v13;
	v2 =	vld [tilespmem:s17+$0x3080];
	v12 =	vadd.f32 v4, v12  }
0x51: {  	v8 =	vadd.f32 v14, v8;
	v9 =	vadd.f32 v15, v9;
	v5 =	vld [tilespmem:s17+$0x3090]  }
0x52: {  	v7 =	vadd.f32 v16, v7;
	v3 =	vld [tilespmem:s17+$0x30A0];
	v6 =	vadd.f32 v19, v6  }
0x53: {  	v8 =	vadd.f32 v0, v8;
	v9 =	vadd.f32 v1, v9;
	v4 =	vld [tilespmem:s17+$0x30B0]  }
0x54: {  	v7 =	vadd.f32 v17, v7;
	v0 =	vld [tilespmem:s17+$0x30C0];
	v6 =	vadd.f32 v18, v6  }
0x55: {  	v1 =	vld [tilespmem:s17+$0x30D0]  }
0x56: {  	v19 =	vld [tilespmem:s17+$0x3000]  }
0x57: {  	v20 =	vld [tilespmem:s17+$0x3010]  }
.Ltmp1:
0x58: {  	v18 =	vld [tilespmem:s17+$0x3020];
	(pc) =	sbr.rel @p0 .LBB2_5-.Ltmp1, $4  }
0x59: {  	v17 =	vld [tilespmem:s17+$0x3030]  }
0x5a: {  	v14 =	vld [tilespmem:s17+$0x3040]  }
0x5b: {  	v15 =	vld [tilespmem:s17+$0x3050]  }
0x5c: {  	s18 =	sadd.s32 $0x400, s18;
	v16 =	vld [tilespmem:s17+$0x3060]  }
0x5d: {  	v10 =	vadd.f32 v19, v10  }
0x5e: {  	v11 =	vadd.f32 v20, v11  }
0x5f: {  	v19 =	vld [tilespmem:s17+$0x3070];
	v13 =	vadd.f32 v18, v13;
	v2 =	vadd.f32 v2, v10  }
0x60: {  	v18 =	vld [tilespmem:s17+$0x30E0];
	v10 =	vadd.f32 v17, v12;
	v5 =	vadd.f32 v5, v11  }
0x61: {  	v11 =	vld [tilespmem:s17+$0x30F0];
	v3 =	vadd.f32 v3, v13;
	v8 =	vadd.f32 v14, v8;
	[tilespmem:s15+$0xA080] =	vst v2  }
0x62: {  	v2 =	vadd.f32 v4, v10;
	v4 =	vadd.f32 v15, v9;
	[tilespmem:s15+$0xA090] =	vst v5  }
0x63: {  	v5 =	vadd.f32 v16, v7;
	v0 =	vadd.f32 v0, v8;
	[tilespmem:s15+$0xA0A0] =	vst v3  }
0x64: {  	v3 =	vadd.f32 v19, v6;
	v1 =	vadd.f32 v1, v4;
	[tilespmem:s15+$0xA0B0] =	vst v2  }
0x65: {  	v2 =	vadd.f32 v18, v5;
	[tilespmem:s15+$0xA0C0] =	vst v0  }
0x66: {  	v0 =	vadd.f32 v11, v3;
	[tilespmem:s15+$0xA0D0] =	vst v1  }
0x67: {  	[tilespmem:s15+$0xA0E0] =	vst v2  }
0x68: {  	s17 =	simm.s32 $0x0;
	[tilespmem:s15+$0xA0F0] =	vst v0  }
0x69: {  	v2 =	vld [tilespmem:s17+$0x4080]  }
0x6a: {  	v5 =	vld [tilespmem:s17+$0x4090]  }
0x6b: {  	v3 =	vld [tilespmem:s17+$0x40A0]  }
0x6c: {  	v4 =	vld [tilespmem:s17+$0x40B0]  }
0x6d: {  	v0 =	vld [tilespmem:s17+$0x40C0]  }
0x6e: {  	v1 =	vld [tilespmem:s17+$0x40D0]  }
0x6f: {  	v19 =	vld [tilespmem:s17+$0x4000]  }
0x70: {  	v20 =	vld [tilespmem:s17+$0x4010]  }
0x71: {  	v18 =	vld [tilespmem:s17+$0x4020]  }
0x72: {  	v17 =	vld [tilespmem:s17+$0x4030]  }
0x73: {  	v13 =	vimm.f32 $0.0e+00;
	v12 =	vimm.f32 $0.0e+00;
	v14 =	vld [tilespmem:s17+$0x4040]  }
0x74: {  	v10 =	vimm.f32 $0.0e+00;
	v8 =	vimm.f32 $0.0e+00;
	v9 =	vimm.f32 $0.0e+00;
	v15 =	vld [tilespmem:s17+$0x4050]  }
0x75: {  	s18 =	simm.s32 $0x400;
	v7 =	vimm.f32 $0.0e+00;
	v6 =	vimm.f32 $0.0e+00;
	v11 =	vimm.f32 $0.0e+00;
	v16 =	vld [tilespmem:s17+$0x4060]  }
.LBB2_7:
0x76: {  	p0 =	sne.s32 s18, $0x3C00;
	v10 =	vadd.f32 v19, v10;
	v11 =	vadd.f32 v20, v11;
	v19 =	vld [tilespmem:s17+$0x4070]  }
0x77: {  	v13 =	vadd.f32 v18, v13;
	v12 =	vadd.f32 v17, v12;
	v17 =	vld [tilespmem:s17+$0x40E0]  }
0x78: {  	v10 =	vadd.f32 v2, v10;
	v11 =	vadd.f32 v5, v11;
	v18 =	vld [tilespmem:s17+$0x40F0];
	s17 =	sshra.s32 s18, $0x2  }
0x79: {  	v13 =	vadd.f32 v3, v13;
	v2 =	vld [tilespmem:s17+$0x4080];
	v12 =	vadd.f32 v4, v12  }
0x7a: {  	v8 =	vadd.f32 v14, v8;
	v9 =	vadd.f32 v15, v9;
	v5 =	vld [tilespmem:s17+$0x4090]  }
0x7b: {  	v7 =	vadd.f32 v16, v7;
	v3 =	vld [tilespmem:s17+$0x40A0];
	v6 =	vadd.f32 v19, v6  }
0x7c: {  	v8 =	vadd.f32 v0, v8;
	v9 =	vadd.f32 v1, v9;
	v4 =	vld [tilespmem:s17+$0x40B0]  }
0x7d: {  	v7 =	vadd.f32 v17, v7;
	v0 =	vld [tilespmem:s17+$0x40C0];
	v6 =	vadd.f32 v18, v6  }
0x7e: {  	v1 =	vld [tilespmem:s17+$0x40D0]  }
0x7f: {  	v19 =	vld [tilespmem:s17+$0x4000]  }
0x80: {  	v20 =	vld [tilespmem:s17+$0x4010]  }
.Ltmp2:
0x81: {  	v18 =	vld [tilespmem:s17+$0x4020];
	(pc) =	sbr.rel @p0 .LBB2_7-.Ltmp2, $4  }
0x82: {  	v17 =	vld [tilespmem:s17+$0x4030]  }
0x83: {  	v14 =	vld [tilespmem:s17+$0x4040]  }
0x84: {  	v15 =	vld [tilespmem:s17+$0x4050]  }
0x85: {  	s18 =	sadd.s32 $0x400, s18;
	v16 =	vld [tilespmem:s17+$0x4060]  }
0x86: {  	v10 =	vadd.f32 v19, v10  }
0x87: {  	v11 =	vadd.f32 v20, v11  }
0x88: {  	v19 =	vld [tilespmem:s17+$0x4070];
	v13 =	vadd.f32 v18, v13;
	v2 =	vadd.f32 v2, v10  }
0x89: {  	v18 =	vld [tilespmem:s17+$0x40E0];
	v10 =	vadd.f32 v17, v12;
	v5 =	vadd.f32 v5, v11  }
0x8a: {  	v11 =	vld [tilespmem:s17+$0x40F0];
	v3 =	vadd.f32 v3, v13;
	v8 =	vadd.f32 v14, v8;
	[tilespmem:s15+$0xA100] =	vst v2  }
0x8b: {  	v2 =	vadd.f32 v4, v10;
	v4 =	vadd.f32 v15, v9;
	[tilespmem:s15+$0xA110] =	vst v5  }
0x8c: {  	v5 =	vadd.f32 v16, v7;
	v0 =	vadd.f32 v0, v8;
	[tilespmem:s15+$0xA120] =	vst v3  }
0x8d: {  	v3 =	vadd.f32 v19, v6;
	v1 =	vadd.f32 v1, v4;
	[tilespmem:s15+$0xA130] =	vst v2  }
0x8e: {  	v2 =	vadd.f32 v18, v5;
	[tilespmem:s15+$0xA140] =	vst v0  }
0x8f: {  	v0 =	vadd.f32 v11, v3;
	[tilespmem:s15+$0xA150] =	vst v1  }
0x90: {  	[tilespmem:s15+$0xA160] =	vst v2  }
0x91: {  	s17 =	simm.s32 $0x0;
	[tilespmem:s15+$0xA170] =	vst v0  }
0x92: {  	v2 =	vld [tilespmem:s17+$0x5080]  }
0x93: {  	v5 =	vld [tilespmem:s17+$0x5090]  }
0x94: {  	v3 =	vld [tilespmem:s17+$0x50A0]  }
0x95: {  	v4 =	vld [tilespmem:s17+$0x50B0]  }
0x96: {  	v0 =	vld [tilespmem:s17+$0x50C0]  }
0x97: {  	v1 =	vld [tilespmem:s17+$0x50D0]  }
0x98: {  	v19 =	vld [tilespmem:s17+$0x5000]  }
0x99: {  	v20 =	vld [tilespmem:s17+$0x5010]  }
0x9a: {  	v18 =	vld [tilespmem:s17+$0x5020]  }
0x9b: {  	v17 =	vld [tilespmem:s17+$0x5030]  }
0x9c: {  	v13 =	vimm.f32 $0.0e+00;
	v12 =	vimm.f32 $0.0e+00;
	v14 =	vld [tilespmem:s17+$0x5040]  }
0x9d: {  	v10 =	vimm.f32 $0.0e+00;
	v8 =	vimm.f32 $0.0e+00;
	v9 =	vimm.f32 $0.0e+00;
	v15 =	vld [tilespmem:s17+$0x5050]  }
0x9e: {  	s18 =	simm.s32 $0x400;
	v7 =	vimm.f32 $0.0e+00;
	v6 =	vimm.f32 $0.0e+00;
	v11 =	vimm.f32 $0.0e+00;
	v16 =	vld [tilespmem:s17+$0x5060]  }
.LBB2_9:
0x9f: {  	p0 =	sne.s32 s18, $0x3C00;
	v10 =	vadd.f32 v19, v10;
	v11 =	vadd.f32 v20, v11;
	v19 =	vld [tilespmem:s17+$0x5070]  }
0xa0: {  	v13 =	vadd.f32 v18, v13;
	v12 =	vadd.f32 v17, v12;
	v17 =	vld [tilespmem:s17+$0x50E0]  }
0xa1: {  	v10 =	vadd.f32 v2, v10;
	v11 =	vadd.f32 v5, v11;
	v18 =	vld [tilespmem:s17+$0x50F0];
	s17 =	sshra.s32 s18, $0x2  }
0xa2: {  	v13 =	vadd.f32 v3, v13;
	v2 =	vld [tilespmem:s17+$0x5080];
	v12 =	vadd.f32 v4, v12  }
0xa3: {  	v8 =	vadd.f32 v14, v8;
	v9 =	vadd.f32 v15, v9;
	v5 =	vld [tilespmem:s17+$0x5090]  }
0xa4: {  	v7 =	vadd.f32 v16, v7;
	v3 =	vld [tilespmem:s17+$0x50A0];
	v6 =	vadd.f32 v19, v6  }
0xa5: {  	v8 =	vadd.f32 v0, v8;
	v9 =	vadd.f32 v1, v9;
	v4 =	vld [tilespmem:s17+$0x50B0]  }
0xa6: {  	v7 =	vadd.f32 v17, v7;
	v0 =	vld [tilespmem:s17+$0x50C0];
	v6 =	vadd.f32 v18, v6  }
0xa7: {  	v1 =	vld [tilespmem:s17+$0x50D0]  }
0xa8: {  	v19 =	vld [tilespmem:s17+$0x5000]  }
0xa9: {  	v20 =	vld [tilespmem:s17+$0x5010]  }
.Ltmp3:
0xaa: {  	v18 =	vld [tilespmem:s17+$0x5020];
	(pc) =	sbr.rel @p0 .LBB2_9-.Ltmp3, $4  }
0xab: {  	v17 =	vld [tilespmem:s17+$0x5030]  }
0xac: {  	v14 =	vld [tilespmem:s17+$0x5040]  }
0xad: {  	v15 =	vld [tilespmem:s17+$0x5050]  }
0xae: {  	s18 =	sadd.s32 $0x400, s18;
	v16 =	vld [tilespmem:s17+$0x5060]  }
0xaf: {  	v10 =	vadd.f32 v19, v10  }
0xb0: {  	v11 =	vadd.f32 v20, v11  }
0xb1: {  	v19 =	vld [tilespmem:s17+$0x5070];
	v13 =	vadd.f32 v18, v13;
	v2 =	vadd.f32 v2, v10  }
0xb2: {  	v18 =	vld [tilespmem:s17+$0x50E0];
	v10 =	vadd.f32 v17, v12;
	v5 =	vadd.f32 v5, v11  }
0xb3: {  	v11 =	vld [tilespmem:s17+$0x50F0];
	v3 =	vadd.f32 v3, v13;
	v8 =	vadd.f32 v14, v8;
	[tilespmem:s15+$0xA180] =	vst v2  }
0xb4: {  	v2 =	vadd.f32 v4, v10;
	v4 =	vadd.f32 v15, v9;
	[tilespmem:s15+$0xA190] =	vst v5  }
0xb5: {  	v5 =	vadd.f32 v16, v7;
	v0 =	vadd.f32 v0, v8;
	[tilespmem:s15+$0xA1A0] =	vst v3  }
0xb6: {  	v3 =	vadd.f32 v19, v6;
	v1 =	vadd.f32 v1, v4;
	[tilespmem:s15+$0xA1B0] =	vst v2  }
0xb7: {  	v2 =	vadd.f32 v18, v5;
	[tilespmem:s15+$0xA1C0] =	vst v0  }
0xb8: {  	p0 =	seq.s32 s16, $0x1D;
	v0 =	vadd.f32 v11, v3;
	[tilespmem:s15+$0xA1D0] =	vst v1  }
0xb9: {  	s17 =	sshrl.u32 @!p0 s15, $0x2;
	[tilespmem:s15+$0xA1E0] =	vst v2  }
0xba: {  	s19 =	simm.s32 @!p0 $0x80;
	s20 =	simm.s32 @!p0 $0x2000;
	s18 =	sadd.s32 @!p0 $0x100, s17;
	[tilespmem:s15+$0xA1F0] =	vst v0  }
0xbb: {  	[tilespmem:s20], [sflag:$0x1] =	stream.indirect.gather @!p0 [hbm4b:s1+s19], $0x80, s18, s19, $0xb8;
	[tilespmem:$0x11800] =	vst v63  }
0xbc: {  	_ =	swait.ge [sflag:s12], $0x4000  }
0xbd: {  	[sflag:s12] =	ssyncset.done $0x0  }
0xbe: {  	s18 =	simm.s32 $0x0;
	[sflag:s12] =	ssyncadd.s32 $0xFFFFC000  }
0xbf: {  	v2 =	vld [tilespmem:s18+$0x6080]  }
0xc0: {  	v5 =	vld [tilespmem:s18+$0x6090]  }
0xc1: {  	v3 =	vld [tilespmem:s18+$0x60A0]  }
0xc2: {  	v4 =	vld [tilespmem:s18+$0x60B0]  }
0xc3: {  	v0 =	vld [tilespmem:s18+$0x60C0]  }
0xc4: {  	v1 =	vld [tilespmem:s18+$0x60D0]  }
0xc5: {  	v19 =	vld [tilespmem:s18+$0x6000]  }
0xc6: {  	v20 =	vld [tilespmem:s18+$0x6010]  }
0xc7: {  	v18 =	vld [tilespmem:s18+$0x6020]  }
0xc8: {  	v17 =	vld [tilespmem:s18+$0x6030]  }
0xc9: {  	v13 =	vimm.f32 $0.0e+00;
	v12 =	vimm.f32 $0.0e+00;
	v14 =	vld [tilespmem:s18+$0x6040]  }
0xca: {  	v10 =	vimm.f32 $0.0e+00;
	v7 =	vimm.f32 $0.0e+00;
	v9 =	vimm.f32 $0.0e+00;
	v15 =	vld [tilespmem:s18+$0x6050]  }
0xcb: {  	s16 =	sadd.s32 $0x1, s16;
	v8 =	vimm.f32 $0.0e+00;
	v6 =	vimm.f32 $0.0e+00;
	v11 =	vimm.f32 $0.0e+00;
	s19 =	simm.s32 $0x400;
	v16 =	vld [tilespmem:s18+$0x6060]  }
.LBB2_11:
0xcc: {  	p1 =	sne.s32 s19, $0x3C00;
	v10 =	vadd.f32 v19, v10;
	v11 =	vadd.f32 v20, v11;
	v19 =	vld [tilespmem:s18+$0x6070]  }
0xcd: {  	v13 =	vadd.f32 v18, v13;
	v12 =	vadd.f32 v17, v12;
	v17 =	vld [tilespmem:s18+$0x60E0]  }
0xce: {  	v10 =	vadd.f32 v2, v10;
	v11 =	vadd.f32 v5, v11;
	v18 =	vld [tilespmem:s18+$0x60F0];
	s18 =	sshra.s32 s19, $0x2  }
0xcf: {  	v13 =	vadd.f32 v3, v13;
	v2 =	vld [tilespmem:s18+$0x6080];
	v12 =	vadd.f32 v4, v12  }
0xd0: {  	v7 =	vadd.f32 v14, v7;
	v9 =	vadd.f32 v15, v9;
	v5 =	vld [tilespmem:s18+$0x6090]  }
0xd1: {  	v8 =	vadd.f32 v16, v8;
	v3 =	vld [tilespmem:s18+$0x60A0];
	v6 =	vadd.f32 v19, v6  }
0xd2: {  	v7 =	vadd.f32 v0, v7;
	v9 =	vadd.f32 v1, v9;
	v4 =	vld [tilespmem:s18+$0x60B0]  }
0xd3: {  	v8 =	vadd.f32 v17, v8;
	v0 =	vld [tilespmem:s18+$0x60C0];
	v6 =	vadd.f32 v18, v6  }
0xd4: {  	v1 =	vld [tilespmem:s18+$0x60D0]  }
0xd5: {  	v19 =	vld [tilespmem:s18+$0x6000]  }
0xd6: {  	v20 =	vld [tilespmem:s18+$0x6010]  }
.Ltmp4:
0xd7: {  	v18 =	vld [tilespmem:s18+$0x6020];
	(pc) =	sbr.rel @p1 .LBB2_11-.Ltmp4, $4  }
0xd8: {  	v17 =	vld [tilespmem:s18+$0x6030]  }
0xd9: {  	v14 =	vld [tilespmem:s18+$0x6040]  }
0xda: {  	v15 =	vld [tilespmem:s18+$0x6050]  }
0xdb: {  	s19 =	sadd.s32 $0x400, s19;
	v16 =	vld [tilespmem:s18+$0x6060]  }
0xdc: {  	v10 =	vadd.f32 v19, v10  }
0xdd: {  	v11 =	vadd.f32 v20, v11  }
0xde: {  	v19 =	vld [tilespmem:s18+$0x6070];
	v13 =	vadd.f32 v18, v13;
	v2 =	vadd.f32 v2, v10  }
0xdf: {  	v18 =	vld [tilespmem:s18+$0x60E0];
	v10 =	vadd.f32 v17, v12;
	v5 =	vadd.f32 v5, v11  }
0xe0: {  	v11 =	vld [tilespmem:s18+$0x60F0];
	v3 =	vadd.f32 v3, v13;
	v7 =	vadd.f32 v14, v7;
	[tilespmem:s15+$0xA200] =	vst v2  }
0xe1: {  	v2 =	vadd.f32 v4, v10;
	v4 =	vadd.f32 v15, v9;
	[tilespmem:s15+$0xA210] =	vst v5  }
0xe2: {  	v5 =	vadd.f32 v16, v8;
	v0 =	vadd.f32 v0, v7;
	[tilespmem:s15+$0xA220] =	vst v3  }
0xe3: {  	v3 =	vadd.f32 v19, v6;
	v1 =	vadd.f32 v1, v4;
	[tilespmem:s15+$0xA230] =	vst v2  }
0xe4: {  	v2 =	vadd.f32 v18, v5;
	[tilespmem:s15+$0xA240] =	vst v0  }
0xe5: {  	v0 =	vadd.f32 v11, v3;
	[tilespmem:s15+$0xA250] =	vst v1  }
0xe6: {  	[tilespmem:s15+$0xA260] =	vst v2  }
0xe7: {  	s18 =	simm.s32 $0x0;
	[tilespmem:s15+$0xA270] =	vst v0  }
0xe8: {  	v2 =	vld [tilespmem:s18+$0x7080]  }
0xe9: {  	v5 =	vld [tilespmem:s18+$0x7090]  }
0xea: {  	v3 =	vld [tilespmem:s18+$0x70A0]  }
0xeb: {  	v4 =	vld [tilespmem:s18+$0x70B0]  }
0xec: {  	v0 =	vld [tilespmem:s18+$0x70C0]  }
0xed: {  	v1 =	vld [tilespmem:s18+$0x70D0]  }
0xee: {  	v19 =	vld [tilespmem:s18+$0x7000]  }
0xef: {  	v20 =	vld [tilespmem:s18+$0x7010]  }
0xf0: {  	v18 =	vld [tilespmem:s18+$0x7020]  }
0xf1: {  	v17 =	vld [tilespmem:s18+$0x7030]  }
0xf2: {  	v13 =	vimm.f32 $0.0e+00;
	v12 =	vimm.f32 $0.0e+00;
	v14 =	vld [tilespmem:s18+$0x7040]  }
0xf3: {  	v10 =	vimm.f32 $0.0e+00;
	v8 =	vimm.f32 $0.0e+00;
	v9 =	vimm.f32 $0.0e+00;
	v15 =	vld [tilespmem:s18+$0x7050]  }
0xf4: {  	s19 =	simm.s32 $0x400;
	v7 =	vimm.f32 $0.0e+00;
	v6 =	vimm.f32 $0.0e+00;
	v11 =	vimm.f32 $0.0e+00;
	v16 =	vld [tilespmem:s18+$0x7060]  }
.LBB2_13:
0xf5: {  	p1 =	sne.s32 s19, $0x3C00;
	v10 =	vadd.f32 v19, v10;
	v11 =	vadd.f32 v20, v11;
	v19 =	vld [tilespmem:s18+$0x7070]  }
0xf6: {  	v13 =	vadd.f32 v18, v13;
	v12 =	vadd.f32 v17, v12;
	v17 =	vld [tilespmem:s18+$0x70E0]  }
0xf7: {  	v10 =	vadd.f32 v2, v10;
	v11 =	vadd.f32 v5, v11;
	v18 =	vld [tilespmem:s18+$0x70F0];
	s18 =	sshra.s32 s19, $0x2  }
0xf8: {  	v13 =	vadd.f32 v3, v13;
	v2 =	vld [tilespmem:s18+$0x7080];
	v12 =	vadd.f32 v4, v12  }
0xf9: {  	v8 =	vadd.f32 v14, v8;
	v9 =	vadd.f32 v15, v9;
	v5 =	vld [tilespmem:s18+$0x7090]  }
0xfa: {  	v7 =	vadd.f32 v16, v7;
	v3 =	vld [tilespmem:s18+$0x70A0];
	v6 =	vadd.f32 v19, v6  }
0xfb: {  	v8 =	vadd.f32 v0, v8;
	v9 =	vadd.f32 v1, v9;
	v4 =	vld [tilespmem:s18+$0x70B0]  }
0xfc: {  	v7 =	vadd.f32 v17, v7;
	v0 =	vld [tilespmem:s18+$0x70C0];
	v6 =	vadd.f32 v18, v6  }
0xfd: {  	v1 =	vld [tilespmem:s18+$0x70D0]  }
0xfe: {  	v19 =	vld [tilespmem:s18+$0x7000]  }
0xff: {  	v20 =	vld [tilespmem:s18+$0x7010]  }
.Ltmp5:
0x100: {  	v18 =	vld [tilespmem:s18+$0x7020];
	(pc) =	sbr.rel @p1 .LBB2_13-.Ltmp5, $4  }
0x101: {  	v17 =	vld [tilespmem:s18+$0x7030]  }
0x102: {  	v14 =	vld [tilespmem:s18+$0x7040]  }
0x103: {  	v15 =	vld [tilespmem:s18+$0x7050]  }
0x104: {  	s19 =	sadd.s32 $0x400, s19;
	v16 =	vld [tilespmem:s18+$0x7060]  }
0x105: {  	v10 =	vadd.f32 v19, v10  }
0x106: {  	v11 =	vadd.f32 v20, v11  }
0x107: {  	v19 =	vld [tilespmem:s18+$0x7070];
	v13 =	vadd.f32 v18, v13;
	v2 =	vadd.f32 v2, v10  }
0x108: {  	v18 =	vld [tilespmem:s18+$0x70E0];
	v10 =	vadd.f32 v17, v12;
	v5 =	vadd.f32 v5, v11  }
0x109: {  	v11 =	vld [tilespmem:s18+$0x70F0];
	v3 =	vadd.f32 v3, v13;
	v8 =	vadd.f32 v14, v8;
	[tilespmem:s15+$0xA280] =	vst v2  }
0x10a: {  	v2 =	vadd.f32 v4, v10;
	v4 =	vadd.f32 v15, v9;
	[tilespmem:s15+$0xA290] =	vst v5  }
0x10b: {  	v5 =	vadd.f32 v16, v7;
	v0 =	vadd.f32 v0, v8;
	[tilespmem:s15+$0xA2A0] =	vst v3  }
0x10c: {  	v3 =	vadd.f32 v19, v6;
	v1 =	vadd.f32 v1, v4;
	[tilespmem:s15+$0xA2B0] =	vst v2  }
0x10d: {  	v2 =	vadd.f32 v18, v5;
	[tilespmem:s15+$0xA2C0] =	vst v0  }
0x10e: {  	v0 =	vadd.f32 v11, v3;
	[tilespmem:s15+$0xA2D0] =	vst v1  }
0x10f: {  	[tilespmem:s15+$0xA2E0] =	vst v2  }
0x110: {  	s18 =	simm.s32 $0x0;
	[tilespmem:s15+$0xA2F0] =	vst v0  }
0x111: {  	v2 =	vld [tilespmem:s18+$0x8080]  }
0x112: {  	v5 =	vld [tilespmem:s18+$0x8090]  }
0x113: {  	v3 =	vld [tilespmem:s18+$0x80A0]  }
0x114: {  	v4 =	vld [tilespmem:s18+$0x80B0]  }
0x115: {  	v0 =	vld [tilespmem:s18+$0x80C0]  }
0x116: {  	v1 =	vld [tilespmem:s18+$0x80D0]  }
0x117: {  	v19 =	vld [tilespmem:s18+$0x8000]  }
0x118: {  	v20 =	vld [tilespmem:s18+$0x8010]  }
0x119: {  	v18 =	vld [tilespmem:s18+$0x8020]  }
0x11a: {  	v17 =	vld [tilespmem:s18+$0x8030]  }
0x11b: {  	v13 =	vimm.f32 $0.0e+00;
	v12 =	vimm.f32 $0.0e+00;
	v14 =	vld [tilespmem:s18+$0x8040]  }
0x11c: {  	v10 =	vimm.f32 $0.0e+00;
	v8 =	vimm.f32 $0.0e+00;
	v9 =	vimm.f32 $0.0e+00;
	v15 =	vld [tilespmem:s18+$0x8050]  }
0x11d: {  	s19 =	simm.s32 $0x400;
	v7 =	vimm.f32 $0.0e+00;
	v6 =	vimm.f32 $0.0e+00;
	v11 =	vimm.f32 $0.0e+00;
	v16 =	vld [tilespmem:s18+$0x8060]  }
.LBB2_15:
0x11e: {  	p1 =	sne.s32 s19, $0x3C00;
	v10 =	vadd.f32 v19, v10;
	v11 =	vadd.f32 v20, v11;
	v19 =	vld [tilespmem:s18+$0x8070]  }
0x11f: {  	v13 =	vadd.f32 v18, v13;
	v12 =	vadd.f32 v17, v12;
	v17 =	vld [tilespmem:s18+$0x80E0]  }
0x120: {  	v10 =	vadd.f32 v2, v10;
	v11 =	vadd.f32 v5, v11;
	v18 =	vld [tilespmem:s18+$0x80F0];
	s18 =	sshra.s32 s19, $0x2  }
0x121: {  	v13 =	vadd.f32 v3, v13;
	v2 =	vld [tilespmem:s18+$0x8080];
	v12 =	vadd.f32 v4, v12  }
0x122: {  	v8 =	vadd.f32 v14, v8;
	v9 =	vadd.f32 v15, v9;
	v5 =	vld [tilespmem:s18+$0x8090]  }
0x123: {  	v7 =	vadd.f32 v16, v7;
	v3 =	vld [tilespmem:s18+$0x80A0];
	v6 =	vadd.f32 v19, v6  }
0x124: {  	v8 =	vadd.f32 v0, v8;
	v9 =	vadd.f32 v1, v9;
	v4 =	vld [tilespmem:s18+$0x80B0]  }
0x125: {  	v7 =	vadd.f32 v17, v7;
	v0 =	vld [tilespmem:s18+$0x80C0];
	v6 =	vadd.f32 v18, v6  }
0x126: {  	v1 =	vld [tilespmem:s18+$0x80D0]  }
0x127: {  	v19 =	vld [tilespmem:s18+$0x8000]  }
0x128: {  	v20 =	vld [tilespmem:s18+$0x8010]  }
.Ltmp6:
0x129: {  	v18 =	vld [tilespmem:s18+$0x8020];
	(pc) =	sbr.rel @p1 .LBB2_15-.Ltmp6, $4  }
0x12a: {  	v17 =	vld [tilespmem:s18+$0x8030]  }
0x12b: {  	v14 =	vld [tilespmem:s18+$0x8040]  }
0x12c: {  	v15 =	vld [tilespmem:s18+$0x8050]  }
0x12d: {  	s19 =	sadd.s32 $0x400, s19;
	v16 =	vld [tilespmem:s18+$0x8060]  }
0x12e: {  	v10 =	vadd.f32 v19, v10  }
0x12f: {  	v11 =	vadd.f32 v20, v11  }
0x130: {  	v19 =	vld [tilespmem:s18+$0x8070];
	v13 =	vadd.f32 v18, v13;
	v2 =	vadd.f32 v2, v10  }
0x131: {  	v18 =	vld [tilespmem:s18+$0x80E0];
	v10 =	vadd.f32 v17, v12;
	v5 =	vadd.f32 v5, v11  }
0x132: {  	v11 =	vld [tilespmem:s18+$0x80F0];
	v3 =	vadd.f32 v3, v13;
	v8 =	vadd.f32 v14, v8;
	[tilespmem:s15+$0xA300] =	vst v2  }
0x133: {  	v2 =	vadd.f32 v4, v10;
	v4 =	vadd.f32 v15, v9;
	[tilespmem:s15+$0xA310] =	vst v5  }
0x134: {  	v5 =	vadd.f32 v16, v7;
	v0 =	vadd.f32 v0, v8;
	[tilespmem:s15+$0xA320] =	vst v3  }
0x135: {  	v3 =	vadd.f32 v19, v6;
	v1 =	vadd.f32 v1, v4;
	[tilespmem:s15+$0xA330] =	vst v2  }
0x136: {  	v2 =	vadd.f32 v18, v5;
	[tilespmem:s15+$0xA340] =	vst v0  }
0x137: {  	v0 =	vadd.f32 v11, v3;
	[tilespmem:s15+$0xA350] =	vst v1  }
0x138: {  	[tilespmem:s15+$0xA360] =	vst v2  }
0x139: {  	s18 =	simm.s32 $0x0;
	[tilespmem:s15+$0xA370] =	vst v0  }
0x13a: {  	v2 =	vld [tilespmem:s18+$0x9080]  }
0x13b: {  	v5 =	vld [tilespmem:s18+$0x9090]  }
0x13c: {  	v3 =	vld [tilespmem:s18+$0x90A0]  }
0x13d: {  	v4 =	vld [tilespmem:s18+$0x90B0]  }
0x13e: {  	v0 =	vld [tilespmem:s18+$0x90C0]  }
0x13f: {  	v1 =	vld [tilespmem:s18+$0x90D0]  }
0x140: {  	v19 =	vld [tilespmem:s18+$0x9000]  }
0x141: {  	v20 =	vld [tilespmem:s18+$0x9010]  }
0x142: {  	v18 =	vld [tilespmem:s18+$0x9020]  }
0x143: {  	v17 =	vld [tilespmem:s18+$0x9030]  }
0x144: {  	v13 =	vimm.f32 $0.0e+00;
	v12 =	vimm.f32 $0.0e+00;
	v14 =	vld [tilespmem:s18+$0x9040]  }
0x145: {  	v10 =	vimm.f32 $0.0e+00;
	v8 =	vimm.f32 $0.0e+00;
	v9 =	vimm.f32 $0.0e+00;
	v15 =	vld [tilespmem:s18+$0x9050]  }
0x146: {  	s19 =	simm.s32 $0x400;
	v7 =	vimm.f32 $0.0e+00;
	v6 =	vimm.f32 $0.0e+00;
	v11 =	vimm.f32 $0.0e+00;
	v16 =	vld [tilespmem:s18+$0x9060]  }
.LBB2_17:
0x147: {  	p1 =	sne.s32 s19, $0x3C00;
	v10 =	vadd.f32 v19, v10;
	v11 =	vadd.f32 v20, v11;
	v19 =	vld [tilespmem:s18+$0x9070]  }
0x148: {  	v13 =	vadd.f32 v18, v13;
	v12 =	vadd.f32 v17, v12;
	v17 =	vld [tilespmem:s18+$0x90E0]  }
0x149: {  	v10 =	vadd.f32 v2, v10;
	v11 =	vadd.f32 v5, v11;
	v18 =	vld [tilespmem:s18+$0x90F0];
	s18 =	sshra.s32 s19, $0x2  }
0x14a: {  	v13 =	vadd.f32 v3, v13;
	v2 =	vld [tilespmem:s18+$0x9080];
	v12 =	vadd.f32 v4, v12  }
0x14b: {  	v8 =	vadd.f32 v14, v8;
	v9 =	vadd.f32 v15, v9;
	v5 =	vld [tilespmem:s18+$0x9090]  }
0x14c: {  	v7 =	vadd.f32 v16, v7;
	v3 =	vld [tilespmem:s18+$0x90A0];
	v6 =	vadd.f32 v19, v6  }
0x14d: {  	v8 =	vadd.f32 v0, v8;
	v9 =	vadd.f32 v1, v9;
	v4 =	vld [tilespmem:s18+$0x90B0]  }
0x14e: {  	v7 =	vadd.f32 v17, v7;
	v0 =	vld [tilespmem:s18+$0x90C0];
	v6 =	vadd.f32 v18, v6  }
0x14f: {  	v1 =	vld [tilespmem:s18+$0x90D0]  }
0x150: {  	v19 =	vld [tilespmem:s18+$0x9000]  }
0x151: {  	v20 =	vld [tilespmem:s18+$0x9010]  }
.Ltmp7:
0x152: {  	v18 =	vld [tilespmem:s18+$0x9020];
	(pc) =	sbr.rel @p1 .LBB2_17-.Ltmp7, $4  }
0x153: {  	v17 =	vld [tilespmem:s18+$0x9030]  }
0x154: {  	v14 =	vld [tilespmem:s18+$0x9040]  }
0x155: {  	v15 =	vld [tilespmem:s18+$0x9050]  }
0x156: {  	s19 =	sadd.s32 $0x400, s19;
	v16 =	vld [tilespmem:s18+$0x9060]  }
0x157: {  	v10 =	vadd.f32 v19, v10  }
0x158: {  	v11 =	vadd.f32 v20, v11  }
0x159: {  	v54 =	vld [tilespmem:s18+$0x9070];
	v13 =	vadd.f32 v18, v13;
	v2 =	vadd.f32 v2, v10  }
0x15a: {  	v55 =	vld [tilespmem:s18+$0x90E0];
	v56 =	vadd.f32 v17, v12;
	v5 =	vadd.f32 v5, v11  }
0x15b: {  	v57 =	vld [tilespmem:s18+$0x90F0];
	v3 =	vadd.f32 v3, v13;
	v8 =	vadd.f32 v14, v8;
	[tilespmem:s15+$0xA380] =	vst v2  }
0x15c: {  	v58 =	vadd.f32 v4, v56;
	v59 =	vadd.f32 v15, v9;
	[tilespmem:s15+$0xA390] =	vst v5  }
0x15d: {  	v60 =	vadd.f32 v16, v7;
	v0 =	vadd.f32 v0, v8;
	[tilespmem:s15+$0xA3A0] =	vst v3  }
0x15e: {  	v61 =	vadd.f32 v54, v6;
	v1 =	vadd.f32 v1, v59;
	[tilespmem:s15+$0xA3B0] =	vst v58  }
0x15f: {  	v62 =	vadd.f32 v55, v60;
	[tilespmem:s15+$0xA3C0] =	vst v0  }
0x160: {  	v63 =	vadd.f32 v57, v61;
	[tilespmem:s15+$0xA3D0] =	vst v1  }
0x161: {  	s18 =	simm.s32 @!p0 $0x6000;
	[tilespmem:s15+$0xA3E0] =	vst v62  }
0x162: {  	p1 =	sne.s32 @!p0 s16, $0x1E;
	[tilespmem:s15+$0xA3F0] =	vst v63;
	s15 =	sadd.s32 @!p0 $0x180, s17;
	s17 =	simm.s32 @!p0 $0x80  }
0x163: {  	[tilespmem:s18], [sflag:$0x2] =	stream.indirect.gather @!p0 [hbm4b:s1+s17], $0x80, s15, s17, $0xb8;
	[tilespmem:$0x11800] =	vst v63  }
0x164: {  	p0 =	por p0, !p1  }
.Ltmp8:
0x165: {  	_ = 	snop;
	(pc) =	sbr.rel @!p0 .LBB2_2-.Ltmp8, $1  }
0x166: {  	_ =	sdelay $0x3  }
0x167: {  	s14 =	sadd.s32 $0x1, s14  }
0x168: {  	p0 =	sne.s32 s14, s6  }
.Ltmp9:
0x169: {  	_ = 	snop;
	(pc) =	sbr.rel @p0 .LBB2_1-.Ltmp9, $4  }
0x16a: {  	[hbm4b:s5+s3] =	stream.linear.scatter [tilespmem:s13], [sflag:$0x3], $0x7800, $0x38;
	[tilespmem:$0x11800] =	vst v63  }
0x16b: {  	_ =	swait.ge [sflag:s7], $0x7800  }
0x16c: {  	[sflag:s7] =	ssyncset.done $0x0  }
0x16d: {  	[sflag:s7] =	ssyncadd.s32 $0xFFFF8800  }
0x16e: {  	_ =	sfence.sel $0x180000  }
0x16f: {  	[bflag:$0x0] =	sbarrier.arrive $0xFFFF  }
0x170: {  	p0 =	sne.s32 s2, $0x0;
	_ =	strace $0x90000047  }
0x171: {  	s0 =	sadd.s32 @!p0 $0x100000, s0;
	[bflag:$0x2] =	sbarrier.arrive $0xFFFF  }
0x172: {  	[sflag:s0] =	ssyncadd.tile.s32 @!p0 $0x1;
	_ =	shalt  }
.Lfunc_end2:
_tile_overlayer_lowered:
.L_overlay_start_2:
0x173: {  	(tag) =	ssettag $0x2  }
0x174: {  	s0 =	rddreg [dreg:$0x0];
	s2 =	stileid.u32  }
0x175: {  	s1 =	rddreg [dreg:$0x1];
	p0 =	sne.s32 s2, $0x0  }
0x176: {  	s3 =	rddreg [dreg:$0x2];
	[bflag:$0x3] =	sbarrier.arrive $0xFFFF;
	s2 =	simm.s32 @!p0 $0x1C03  }
0x177: {  	[timem:s3], [sflag:s2] =	dma.local @!p0 [hbm:s0], s1  }
0x178: {  	s0 =	simm.s32 @!p0 $0x3  }
0x179: {  	_ =	swait.ge @!p0 [sflag:s0], s1  }
0x17a: {  	s1 =	ssub.s32 @!p0 $0x0, s1;
	[sflag:s0] =	ssyncset.done @!p0 $0x0  }
0x17b: {  	[sflag:s0] =	ssyncadd.s32 @!p0 s1  }
0x17c: {  	[bflag:$0x3] =	sbarrier.arrive $0xFFFF  }
0x17d: {  	_ =	shalt  }

</sc_bundles>
